<compile_context>
chip_gen: v7x
topology: tpu7x:2x2x1
jax: 0.10.2.dev20260603
libtpu: 0.0.44.dev20260713+nightly
codegen_flags: <defaults>
</compile_context>

<pallas_src>
import functools

import jax
import jax.numpy as jnp
from jax import lax
from jax.experimental import pallas as pl
from jax.experimental.pallas import tpu as pltpu, tpu_sc as plsc

_EPS_BN = 1e-5
_NB1 = 2048
_NB2 = 2048
_CH = 128


def _k1a_body(x1_ref, x2_ref, prm_ref, idx_ref, wts_ref, *, nb, m, mm):
    del prm_ref
    x1 = x1_ref[0]
    x2 = x2_ref[0]
    aa = jnp.sum(x1 * x1, axis=1, keepdims=True)
    bb = jnp.sum(x2 * x2, axis=1)
    ab2 = jax.lax.dot_general(x1, -2.0 * x2, (((1,), (1,)), ((), ())),
                              preferred_element_type=jnp.float32)
    sq = jnp.maximum((ab2 + aa) + bb[None, :], 0.0)

    iota = lax.broadcasted_iota(jnp.int32, (nb, m), 1)
    inf = jnp.float32(jnp.inf)
    dc = sq
    mins, idxs = [], []
    for _ in range(3):
        mk = jnp.min(dc, axis=1, keepdims=True)
        ik = jnp.min(jnp.where(dc == mk, iota, m), axis=1, keepdims=True)
        mins.append(mk)
        idxs.append(ik)
        dc = jnp.where(iota == ik, inf, dc)

    r = [1.0 / (jnp.sqrt(mk) + 1e-8) for mk in mins]
    norm = r[0] + r[1] + r[2]
    base = pl.program_id(0) * mm
    zi = jnp.zeros((5, nb), jnp.int32)
    idx_ref[0] = jnp.concatenate(
        [(idxs[0] + base).T, (idxs[1] + base).T, (idxs[2] + base).T, zi], 0)
    wts_ref[0] = jnp.concatenate(
        [jnp.broadcast_to(r[0] / norm, (nb, 16)),
         jnp.broadcast_to(r[1] / norm, (nb, 16)),
         jnp.broadcast_to(r[2] / norm, (nb, 16))], 1)


def _sc_gather(table, idx, wts, *, nbn, c2):
    info = plsc.get_sparse_core_info()
    nw = info.num_cores * info.num_subcores
    ppw = nbn // nw
    nch = ppw // _CH
    mesh = plsc.VectorSubcoreMesh(core_axis_name="c", subcore_axis_name="s")

    @functools.partial(
        pl.kernel, mesh=mesh,
        out_type=jax.ShapeDtypeStruct((nbn, c2), jnp.float32),
        scratch_types=[
            pltpu.VMEM((_CH,), jnp.int32),
            pltpu.VMEM((_CH,), jnp.int32),
            pltpu.VMEM((_CH,), jnp.int32),
            pltpu.VMEM((_CH, 48), jnp.float32),
            pltpu.VMEM((_CH, c2), jnp.float32),
            pltpu.VMEM((_CH, c2), jnp.float32),
            pltpu.VMEM((_CH, c2), jnp.float32),
            pltpu.VMEM((_CH, c2), jnp.float32),
            pltpu.SemaphoreType.DMA,
        ],
    )
    def k(table_hbm, idx_hbm, wts_hbm, out_hbm,
          i1_v, i2_v, i3_v, w_v, r1_v, r2_v, r3_v, o_v, sem):
        wid = lax.axis_index("s") * info.num_cores + lax.axis_index("c")
        wbase = wid * ppw

        def chunk_body(c, _):
            base = wbase + c * _CH
            pltpu.sync_copy(idx_hbm.at[0, pl.ds(base, _CH)], i1_v)
            pltpu.sync_copy(idx_hbm.at[1, pl.ds(base, _CH)], i2_v)
            pltpu.sync_copy(idx_hbm.at[2, pl.ds(base, _CH)], i3_v)
            pltpu.sync_copy(wts_hbm.at[pl.ds(base, _CH)], w_v)
            pltpu.async_copy(table_hbm.at[i1_v], r1_v, sem).wait()
            pltpu.async_copy(table_hbm.at[i2_v], r2_v, sem).wait()
            pltpu.async_copy(table_hbm.at[i3_v], r3_v, sem).wait()

            def pt_body(p, _):
                w1 = w_v[p, pl.ds(0, 16)]
                w2 = w_v[p, pl.ds(16, 16)]
                w3 = w_v[p, pl.ds(32, 16)]
                for j in range(c2 // 16):
                    sl = pl.ds(j * 16, 16)
                    o_v[p, sl] = (w1 * r1_v[p, sl] + w2 * r2_v[p, sl]
                                  + w3 * r3_v[p, sl])
                return 0

            lax.fori_loop(0, _CH, pt_body, 0)
            pltpu.sync_copy(o_v, out_hbm.at[pl.ds(base, _CH)])
            return 0

        lax.fori_loop(0, nch, chunk_body, 0)

    return k(table, idx, wts)


def _k1b_body(p1_ref, it_ref, w1at_ref, w1bt_ref, prm_ref, y1_ref, st_ref):
    p1 = p1_ref[0].T
    y1 = (jnp.dot(p1, w1at_ref[...], preferred_element_type=jnp.float32)
          + jnp.dot(it_ref[0], w1bt_ref[...],
                    preferred_element_type=jnp.float32)
          + prm_ref[0:1, :])
    y1_ref[0] = y1
    s = jnp.sum(y1, axis=0, keepdims=True)
    ss = jnp.sum(y1 * y1, axis=0, keepdims=True)
    upd = jnp.concatenate(
        [s, ss, jnp.zeros((6, s.shape[1]), jnp.float32)], axis=0)

    @pl.when(jnp.logical_and(pl.program_id(0) == 0, pl.program_id(1) == 0))
    def _init():
        st_ref[...] = jnp.zeros_like(st_ref)

    st_ref[...] += upd


def _k2_body(y1_ref, st_ref, w2t_ref, prm_ref, y2_ref, st2_ref, *, cnt):
    mean = st_ref[0:1, :] / cnt
    var = st_ref[1:2, :] / cnt - mean * mean
    inv = 1.0 / jnp.sqrt(var + _EPS_BN)
    g1 = prm_ref[0:1, :]
    be1 = prm_ref[1:2, :]
    b2 = prm_ref[2:3, :]
    z = jnp.maximum((y1_ref[0] - mean) * inv * g1 + be1, 0.0)
    y2 = jnp.dot(z, w2t_ref[...], preferred_element_type=jnp.float32) + b2
    y2_ref[0] = y2
    s = jnp.sum(y2, axis=0, keepdims=True)
    ss = jnp.sum(y2 * y2, axis=0, keepdims=True)
    upd = jnp.concatenate(
        [s, ss, jnp.zeros((6, s.shape[1]), jnp.float32)], axis=0)

    @pl.when(jnp.logical_and(pl.program_id(0) == 0, pl.program_id(1) == 0))
    def _init():
        st2_ref[...] = jnp.zeros_like(st2_ref)

    st2_ref[...] += upd


def _k3_body(y2_ref, st_ref, prm_ref, out_ref, *, cnt):
    mean = st_ref[0:1, :] / cnt
    var = st_ref[1:2, :] / cnt - mean * mean
    inv = 1.0 / jnp.sqrt(var + _EPS_BN)
    g2 = prm_ref[0:1, :]
    be2 = prm_ref[1:2, :]
    z = jnp.maximum((y2_ref[0] - mean) * inv * g2 + be2, 0.0)
    out_ref[0] = z.T


def kernel(xyz1, xyz2, points1, points2, W1, b1, g1, be1, W2, b2, g2, be2):
    B, N, _ = xyz1.shape
    M = xyz2.shape[1]
    C1 = points1.shape[1]
    C2 = points2.shape[1]
    H1 = W1.shape[0]
    H2 = W2.shape[0]
    nb1 = _NB1 if N % _NB1 == 0 else N
    nb2 = _NB2 if N % _NB2 == 0 else N
    cnt = float(B * N)

    pts = jnp.transpose(points2, (0, 2, 1))
    table = jnp.reshape(pts, (B * M, C2))
    w1at = jnp.transpose(W1[:, :C1])
    w1bt = jnp.transpose(W1[:, C1:])
    w2t = jnp.transpose(W2)
    prm1 = jnp.concatenate([b1[None, :], jnp.zeros((7, H1), jnp.float32)], 0)
    prm2 = jnp.concatenate(
        [g1[None, :], be1[None, :], b2[None, :],
         jnp.zeros((5, H1), jnp.float32)], 0)
    prm3 = jnp.concatenate(
        [g2[None, :], be2[None, :], jnp.zeros((6, H2), jnp.float32)], 0)

    grid1 = (B, N // nb1)
    grid2 = (B, N // nb2)

    idx, wts = pl.pallas_call(
        functools.partial(_k1a_body, nb=nb1, m=M, mm=M),
        grid=grid1,
        in_specs=[
            pl.BlockSpec((1, nb1, 3), lambda b, i: (b, i, 0)),
            pl.BlockSpec((1, M, 3), lambda b, i: (b, 0, 0)),
            pl.BlockSpec((8, H1), lambda b, i: (0, 0)),
        ],
        out_specs=[
            pl.BlockSpec((1, 8, nb1), lambda b, i: (b, 0, i)),
            pl.BlockSpec((1, nb1, 48), lambda b, i: (b, i, 0)),
        ],
        out_shape=[
            jax.ShapeDtypeStruct((B, 8, N), jnp.int32),
            jax.ShapeDtypeStruct((B, N, 48), jnp.float32),
        ],
    )(xyz1, xyz2, prm1)

    idxf = jnp.reshape(jnp.transpose(idx, (1, 0, 2)), (8, B * N))
    wtsf = jnp.reshape(wts, (B * N, 48))

    interp = _sc_gather(table, idxf, wtsf, nbn=B * N, c2=C2)
    interp = jnp.reshape(interp, (B, N, C2))

    y1, st1 = pl.pallas_call(
        _k1b_body,
        grid=grid2,
        in_specs=[
            pl.BlockSpec((1, C1, nb2), lambda b, i: (b, 0, i)),
            pl.BlockSpec((1, nb2, C2), lambda b, i: (b, i, 0)),
            pl.BlockSpec((C1, H1), lambda b, i: (0, 0)),
            pl.BlockSpec((C2, H1), lambda b, i: (0, 0)),
            pl.BlockSpec((8, H1), lambda b, i: (0, 0)),
        ],
        out_specs=[
            pl.BlockSpec((1, nb2, H1), lambda b, i: (b, i, 0)),
            pl.BlockSpec((8, H1), lambda b, i: (0, 0)),
        ],
        out_shape=[
            jax.ShapeDtypeStruct((B, N, H1), jnp.float32),
            jax.ShapeDtypeStruct((8, H1), jnp.float32),
        ],
    )(points1, interp, w1at, w1bt, prm1)

    y2, st2 = pl.pallas_call(
        functools.partial(_k2_body, cnt=cnt),
        grid=grid2,
        in_specs=[
            pl.BlockSpec((1, nb2, H1), lambda b, i: (b, i, 0)),
            pl.BlockSpec((8, H1), lambda b, i: (0, 0)),
            pl.BlockSpec((H1, H2), lambda b, i: (0, 0)),
            pl.BlockSpec((8, H1), lambda b, i: (0, 0)),
        ],
        out_specs=[
            pl.BlockSpec((1, nb2, H2), lambda b, i: (b, i, 0)),
            pl.BlockSpec((8, H2), lambda b, i: (0, 0)),
        ],
        out_shape=[
            jax.ShapeDtypeStruct((B, N, H2), jnp.float32),
            jax.ShapeDtypeStruct((8, H2), jnp.float32),
        ],
    )(y1, st1, w2t, prm2)

    out = pl.pallas_call(
        functools.partial(_k3_body, cnt=cnt),
        grid=grid2,
        in_specs=[
            pl.BlockSpec((1, nb2, H2), lambda b, i: (b, i, 0)),
            pl.BlockSpec((8, H2), lambda b, i: (0, 0)),
            pl.BlockSpec((8, H2), lambda b, i: (0, 0)),
        ],
        out_specs=pl.BlockSpec((1, H2, nb2), lambda b, i: (b, 0, i)),
        out_shape=jax.ShapeDtypeStruct((B, H2, N), jnp.float32),
    )(y2, st2, prm3)

    return out

# --- scband reference (transcript-rebuilt; emitter-appended) ---
"""Pipeline reference for scband-point-net-feature-propagation-41540923687665 (READ-ONLY COPY).

The authoritative reference and input builder live on the scoring server;
editing this copy changes nothing except your own understanding.
"""

import jax, jax.numpy as jnp
import numpy as np

B, N, M, C1, C2 = 4, 16384, 1024, 64, 128
IN_CH = C1 + C2
H1, H2 = 128, 128


def setup_inputs(seed: int = 0) -> dict:
    key = jax.random.key(seed)
    ks = jax.random.split(key, 6)
    return {
        "xyz1": jax.random.normal(ks[0], (B, N, 3), jnp.float32),
        "xyz2": jax.random.normal(ks[1], (B, M, 3), jnp.float32),
        "points1": jax.random.normal(ks[2], (B, C1, N), jnp.float32),
        "points2": jax.random.normal(ks[3], (B, C2, M), jnp.float32),
        "W1": jax.random.normal(ks[4], (H1, IN_CH), jnp.float32) * (1.0 / np.sqrt(IN_CH)),
        "b1": jnp.zeros((H1,), jnp.float32),
        "g1": jnp.ones((H1,), jnp.float32),
        "be1": jnp.zeros((H1,), jnp.float32),
        "W2": jax.random.normal(ks[5], (H2, H1), jnp.float32) * (1.0 / np.sqrt(H1)),
        "b2": jnp.zeros((H2,), jnp.float32),
        "g2": jnp.ones((H2,), jnp.float32),
        "be2": jnp.zeros((H2,), jnp.float32),
    }


def _cdist(a, b):
    aa = jnp.sum(a * a, axis=-1)[:, :, None]
    bb = jnp.sum(b * b, axis=-1)[:, None, :]
    ab = jnp.einsum('bnd,bmd->bnm', a, b)
    sq = jnp.maximum(aa + bb - 2.0 * ab, 0.0)
    return jnp.sqrt(sq)


def _conv_bn_relu(x, W, b, g, be):
    # Conv1d kernel_size=1 == per-point matmul; BatchNorm1d in training mode (batch stats)
    y = jnp.einsum('oc,bcn->bon', W, x) + b[None, :, None]
    mean = jnp.mean(y, axis=(0, 2), keepdims=True)
    var = jnp.mean((y - mean) ** 2, axis=(0, 2), keepdims=True)
    y = (y - mean) / jnp.sqrt(var + 1e-5) * g[None, :, None] + be[None, :, None]
    return jax.nn.relu(y)


def reference(xyz1, xyz2, points1, points2, W1, b1, g1, be1, W2, b2, g2, be2):
    dists = _cdist(xyz1, xyz2)                      # (B, N, M)
    neg_vals, idx = jax.lax.top_k(-dists, 3)        # 3 smallest distances
    d = -neg_vals                                   # (B, N, 3), ascending
    dist_recip = 1.0 / (d + 1e-8)
    norm = jnp.sum(dist_recip, axis=-1, keepdims=True)
    weight = dist_recip / norm                      # (B, N, 3)
    pts = jnp.transpose(points2, (0, 2, 1))         # (B, M, C2)
    gathered = jax.vmap(lambda p, i: p[i])(pts, idx)  # (B, N, 3, C2)
    interp = jnp.sum(gathered * weight[..., None], axis=2)  # (B, N, C2)
    interp = jnp.transpose(interp, (0, 2, 1))       # (B, C2, N)
    new_points = jnp.concatenate([points1, interp], axis=1)  # (B, C1+C2, N)
    new_points = _conv_bn_relu(new_points, W1, b1, g1, be1)
    new_points = _conv_bn_relu(new_points, W2, b2, g2, be2)
    return new_points

if __name__ == "__main__":
    import jax
    _d = setup_inputs()
    print(jax.jit(kernel)(*tuple(_d.values())))

</pallas_src>

<mosaic_0001>
#map = affine_map<(d0, d1) -> (0, 0)>
module attributes {stable_mosaic.version = 14 : i64} {
  func.func @k(%arg0: i32, %arg1: i32, %arg2: memref<4096x128xf32, #tpu.memory_space<hbm>>, %arg3: memref<8x65536xi32, #tpu.memory_space<hbm>>, %arg4: memref<65536x48xf32, #tpu.memory_space<hbm>>, %arg5: memref<65536x128xf32, #tpu.memory_space<hbm>>, %arg6: memref<128xi32, #tpu.memory_space<vmem>>, %arg7: memref<128xi32, #tpu.memory_space<vmem>>, %arg8: memref<128xi32, #tpu.memory_space<vmem>>, %arg9: memref<128x48xf32, #tpu.memory_space<vmem>>, %arg10: memref<128x128xf32, #tpu.memory_space<vmem>>, %arg11: memref<128x128xf32, #tpu.memory_space<vmem>>, %arg12: memref<128x128xf32, #tpu.memory_space<vmem>>, %arg13: memref<128x128xf32, #tpu.memory_space<vmem>>, %arg14: memref<!tpu.dma_semaphore, #tpu.memory_space<semaphore_mem>>) attributes {dimension_semantics = [#tpu.dimension_semantics<core_parallel>, #tpu.dimension_semantics<subcore_parallel>], iteration_bounds = array<i64: 2, 16>, scalar_prefetch = 0 : i64, scratch_operands = 9 : i64, tpu.core_type = #tpu.core_type<sc_vector_subcore>, window_params = [{transform_indices = #map}, {transform_indices = #map}, {transform_indices = #map}, {transform_indices = #map}]} {
    %mul3A = arith.constant 2 : i32
    %mul3A_0 = arith.muli %arg1, %mul3A : i32
    %add3A = arith.addi %mul3A_0, %arg0 : i32
    %mul3A_1 = arith.constant 2048 : i32
    %mul3A_2 = arith.muli %add3A, %mul3A_1 : i32
    %scan3A = arith.constant 0 : i32
    %scan3A_3 = arith.constant 0 : i32
    %scan3A_4 = arith.constant 16 : i32
    %scan3A_5 = arith.addi %scan3A_3, %scan3A_4 : i32
    %scan3A_6 = arith.constant 1 : i32
    %scan3A_7 = scf.for %scan3A_9 = %scan3A_3 to %scan3A_5 step %scan3A_6 iter_args(%scan3A_10 = %scan3A) -> (i32)  : i32 {
      %mul3A_11 = arith.constant 128 : i32
      %mul3A_12 = arith.muli %scan3A_9, %mul3A_11 : i32
      %add3A_13 = arith.addi %mul3A_2, %mul3A_12 : i32
      %run_scoped3A = arith.constant 0 : i32
      "tpu.region"() ({
        %run_scoped3A_40 = tpu.sem_alloc : memref<!tpu.dma_semaphore, #tpu.memory_space<semaphore_mem>>
        %dma_start3A_41 = tpu.memref_slice %arg3[%run_scoped3A, %add3A_13] : memref<8x65536xi32, #tpu.memory_space<hbm>> -> memref<1x128xi32, #tpu.memory_space<hbm>>
        %dma_start3A_42 = tpu.memref_squeeze %dma_start3A_41 : memref<1x128xi32, #tpu.memory_space<hbm>> -> memref<128xi32, #tpu.memory_space<hbm>>
        %dma_start3A_43 = tpu.memref_slice %arg3[%run_scoped3A, %add3A_13] : memref<8x65536xi32, #tpu.memory_space<hbm>> -> memref<1x128xi32, #tpu.memory_space<hbm>>
        %dma_start3A_44 = tpu.memref_squeeze %dma_start3A_43 : memref<1x128xi32, #tpu.memory_space<hbm>> -> memref<128xi32, #tpu.memory_space<hbm>>
        tpu.enqueue_dma source(%dma_start3A_44 : memref<128xi32, #tpu.memory_space<hbm>>) target(%arg6 : memref<128xi32, #tpu.memory_space<vmem>>) target_semaphore(%run_scoped3A_40 : memref<!tpu.dma_semaphore, #tpu.memory_space<semaphore_mem>>)
        %dma_wait3A_45 = tpu.memref_slice %arg3[%run_scoped3A, %add3A_13] : memref<8x65536xi32, #tpu.memory_space<hbm>> -> memref<1x128xi32, #tpu.memory_space<hbm>>
        %dma_wait3A_46 = tpu.memref_squeeze %dma_wait3A_45 : memref<1x128xi32, #tpu.memory_space<hbm>> -> memref<128xi32, #tpu.memory_space<hbm>>
        %dma_wait3A_47 = tpu.memref_slice %arg3[%run_scoped3A, %add3A_13] : memref<8x65536xi32, #tpu.memory_space<hbm>> -> memref<1x128xi32, #tpu.memory_space<hbm>>
        %dma_wait3A_48 = tpu.memref_squeeze %dma_wait3A_47 : memref<1x128xi32, #tpu.memory_space<hbm>> -> memref<128xi32, #tpu.memory_space<hbm>>
        tpu.wait_dma2 semaphore(%run_scoped3A_40 : memref<!tpu.dma_semaphore, #tpu.memory_space<semaphore_mem>>) src(%dma_wait3A_48 : memref<128xi32, #tpu.memory_space<hbm>>) dst(%arg6 : memref<128xi32, #tpu.memory_space<vmem>>)
        tpu.yield
      }) : () -> ()
      %run_scoped3A_14 = arith.constant 1 : i32
      "tpu.region"() ({
        %run_scoped3A_40 = tpu.sem_alloc : memref<!tpu.dma_semaphore, #tpu.memory_space<semaphore_mem>>
        %dma_start3A_41 = tpu.memref_slice %arg3[%run_scoped3A_14, %add3A_13] : memref<8x65536xi32, #tpu.memory_space<hbm>> -> memref<1x128xi32, #tpu.memory_space<hbm>>
        %dma_start3A_42 = tpu.memref_squeeze %dma_start3A_41 : memref<1x128xi32, #tpu.memory_space<hbm>> -> memref<128xi32, #tpu.memory_space<hbm>>
        %dma_start3A_43 = tpu.memref_slice %arg3[%run_scoped3A_14, %add3A_13] : memref<8x65536xi32, #tpu.memory_space<hbm>> -> memref<1x128xi32, #tpu.memory_space<hbm>>
        %dma_start3A_44 = tpu.memref_squeeze %dma_start3A_43 : memref<1x128xi32, #tpu.memory_space<hbm>> -> memref<128xi32, #tpu.memory_space<hbm>>
        tpu.enqueue_dma source(%dma_start3A_44 : memref<128xi32, #tpu.memory_space<hbm>>) target(%arg7 : memref<128xi32, #tpu.memory_space<vmem>>) target_semaphore(%run_scoped3A_40 : memref<!tpu.dma_semaphore, #tpu.memory_space<semaphore_mem>>)
        %dma_wait3A_45 = tpu.memref_slice %arg3[%run_scoped3A_14, %add3A_13] : memref<8x65536xi32, #tpu.memory_space<hbm>> -> memref<1x128xi32, #tpu.memory_space<hbm>>
        %dma_wait3A_46 = tpu.memref_squeeze %dma_wait3A_45 : memref<1x128xi32, #tpu.memory_space<hbm>> -> memref<128xi32, #tpu.memory_space<hbm>>
        %dma_wait3A_47 = tpu.memref_slice %arg3[%run_scoped3A_14, %add3A_13] : memref<8x65536xi32, #tpu.memory_space<hbm>> -> memref<1x128xi32, #tpu.memory_space<hbm>>
        %dma_wait3A_48 = tpu.memref_squeeze %dma_wait3A_47 : memref<1x128xi32, #tpu.memory_space<hbm>> -> memref<128xi32, #tpu.memory_space<hbm>>
        tpu.wait_dma2 semaphore(%run_scoped3A_40 : memref<!tpu.dma_semaphore, #tpu.memory_space<semaphore_mem>>) src(%dma_wait3A_48 : memref<128xi32, #tpu.memory_space<hbm>>) dst(%arg7 : memref<128xi32, #tpu.memory_space<vmem>>)
        tpu.yield
      }) : () -> ()
      %run_scoped3A_15 = arith.constant 2 : i32
      "tpu.region"() ({
        %run_scoped3A_40 = tpu.sem_alloc : memref<!tpu.dma_semaphore, #tpu.memory_space<semaphore_mem>>
        %dma_start3A_41 = tpu.memref_slice %arg3[%run_scoped3A_15, %add3A_13] : memref<8x65536xi32, #tpu.memory_space<hbm>> -> memref<1x128xi32, #tpu.memory_space<hbm>>
        %dma_start3A_42 = tpu.memref_squeeze %dma_start3A_41 : memref<1x128xi32, #tpu.memory_space<hbm>> -> memref<128xi32, #tpu.memory_space<hbm>>
        %dma_start3A_43 = tpu.memref_slice %arg3[%run_scoped3A_15, %add3A_13] : memref<8x65536xi32, #tpu.memory_space<hbm>> -> memref<1x128xi32, #tpu.memory_space<hbm>>
        %dma_start3A_44 = tpu.memref_squeeze %dma_start3A_43 : memref<1x128xi32, #tpu.memory_space<hbm>> -> memref<128xi32, #tpu.memory_space<hbm>>
        tpu.enqueue_dma source(%dma_start3A_44 : memref<128xi32, #tpu.memory_space<hbm>>) target(%arg8 : memref<128xi32, #tpu.memory_space<vmem>>) target_semaphore(%run_scoped3A_40 : memref<!tpu.dma_semaphore, #tpu.memory_space<semaphore_mem>>)
        %dma_wait3A_45 = tpu.memref_slice %arg3[%run_scoped3A_15, %add3A_13] : memref<8x65536xi32, #tpu.memory_space<hbm>> -> memref<1x128xi32, #tpu.memory_space<hbm>>
        %dma_wait3A_46 = tpu.memref_squeeze %dma_wait3A_45 : memref<1x128xi32, #tpu.memory_space<hbm>> -> memref<128xi32, #tpu.memory_space<hbm>>
        %dma_wait3A_47 = tpu.memref_slice %arg3[%run_scoped3A_15, %add3A_13] : memref<8x65536xi32, #tpu.memory_space<hbm>> -> memref<1x128xi32, #tpu.memory_space<hbm>>
        %dma_wait3A_48 = tpu.memref_squeeze %dma_wait3A_47 : memref<1x128xi32, #tpu.memory_space<hbm>> -> memref<128xi32, #tpu.memory_space<hbm>>
        tpu.wait_dma2 semaphore(%run_scoped3A_40 : memref<!tpu.dma_semaphore, #tpu.memory_space<semaphore_mem>>) src(%dma_wait3A_48 : memref<128xi32, #tpu.memory_space<hbm>>) dst(%arg8 : memref<128xi32, #tpu.memory_space<vmem>>)
        tpu.yield
      }) : () -> ()
      "tpu.region"() ({
        %run_scoped3A_40 = tpu.sem_alloc : memref<!tpu.dma_semaphore, #tpu.memory_space<semaphore_mem>>
        %dma_start3A_41 = arith.constant 0 : i32
        %dma_start3A_42 = tpu.memref_slice %arg4[%add3A_13, %dma_start3A_41] : memref<65536x48xf32, #tpu.memory_space<hbm>> -> memref<128x48xf32, #tpu.memory_space<hbm>>
        %dma_start3A_43 = arith.constant 0 : i32
        %dma_start3A_44 = tpu.memref_slice %arg4[%add3A_13, %dma_start3A_43] : memref<65536x48xf32, #tpu.memory_space<hbm>> -> memref<128x48xf32, #tpu.memory_space<hbm>>
        tpu.enqueue_dma source(%dma_start3A_44 : memref<128x48xf32, #tpu.memory_space<hbm>>) target(%arg9 : memref<128x48xf32, #tpu.memory_space<vmem>>) target_semaphore(%run_scoped3A_40 : memref<!tpu.dma_semaphore, #tpu.memory_space<semaphore_mem>>)
        %dma_wait3A_45 = arith.constant 0 : i32
        %dma_wait3A_46 = tpu.memref_slice %arg4[%add3A_13, %dma_wait3A_45] : memref<65536x48xf32, #tpu.memory_space<hbm>> -> memref<128x48xf32, #tpu.memory_space<hbm>>
        %dma_wait3A_47 = arith.constant 0 : i32
        %dma_wait3A_48 = tpu.memref_slice %arg4[%add3A_13, %dma_wait3A_47] : memref<65536x48xf32, #tpu.memory_space<hbm>> -> memref<128x48xf32, #tpu.memory_space<hbm>>
        tpu.wait_dma2 semaphore(%run_scoped3A_40 : memref<!tpu.dma_semaphore, #tpu.memory_space<semaphore_mem>>) src(%dma_wait3A_48 : memref<128x48xf32, #tpu.memory_space<hbm>>) dst(%arg9 : memref<128x48xf32, #tpu.memory_space<vmem>>)
        tpu.yield
      }) : () -> ()
      %dma_start3A = arith.constant 0 : i32
      %dma_start3A_16 = arith.constant 0 : i32
      %dma_start3A_17 = tpu.memref_slice %arg2[%dma_start3A, %dma_start3A_16] : memref<4096x128xf32, #tpu.memory_space<hbm>> -> memref<4096x128xf32, #tpu.memory_space<hbm>>
      tpu.enqueue_indirect_dma source(%dma_start3A_17 : memref<4096x128xf32, #tpu.memory_space<hbm>>) target(%arg10 : memref<128x128xf32, #tpu.memory_space<vmem>>) offsets(%arg6 : memref<128xi32, #tpu.memory_space<vmem>>) semaphore(%arg14 : memref<!tpu.dma_semaphore, #tpu.memory_space<semaphore_mem>>)
      %dma_wait3A = arith.constant 0 : i32
      %dma_wait3A_18 = arith.constant 0 : i32
      %dma_wait3A_19 = tpu.memref_slice %arg2[%dma_wait3A, %dma_wait3A_18] : memref<4096x128xf32, #tpu.memory_space<hbm>> -> memref<4096x128xf32, #tpu.memory_space<hbm>>
      tpu.wait_indirect_dma semaphore(%arg14 : memref<!tpu.dma_semaphore, #tpu.memory_space<semaphore_mem>>) src(%dma_wait3A_19 : memref<4096x128xf32, #tpu.memory_space<hbm>>) dst(%arg10 : memref<128x128xf32, #tpu.memory_space<vmem>>)
      %dma_start3A_20 = arith.constant 0 : i32
      %dma_start3A_21 = arith.constant 0 : i32
      %dma_start3A_22 = tpu.memref_slice %arg2[%dma_start3A_20, %dma_start3A_21] : memref<4096x128xf32, #tpu.memory_space<hbm>> -> memref<4096x128xf32, #tpu.memory_space<hbm>>
      tpu.enqueue_indirect_dma source(%dma_start3A_22 : memref<4096x128xf32, #tpu.memory_space<hbm>>) target(%arg11 : memref<128x128xf32, #tpu.memory_space<vmem>>) offsets(%arg7 : memref<128xi32, #tpu.memory_space<vmem>>) semaphore(%arg14 : memref<!tpu.dma_semaphore, #tpu.memory_space<semaphore_mem>>)
      %dma_wait3A_23 = arith.constant 0 : i32
      %dma_wait3A_24 = arith.constant 0 : i32
      %dma_wait3A_25 = tpu.memref_slice %arg2[%dma_wait3A_23, %dma_wait3A_24] : memref<4096x128xf32, #tpu.memory_space<hbm>> -> memref<4096x128xf32, #tpu.memory_space<hbm>>
      tpu.wait_indirect_dma semaphore(%arg14 : memref<!tpu.dma_semaphore, #tpu.memory_space<semaphore_mem>>) src(%dma_wait3A_25 : memref<4096x128xf32, #tpu.memory_space<hbm>>) dst(%arg11 : memref<128x128xf32, #tpu.memory_space<vmem>>)
      %dma_start3A_26 = arith.constant 0 : i32
      %dma_start3A_27 = arith.constant 0 : i32
      %dma_start3A_28 = tpu.memref_slice %arg2[%dma_start3A_26, %dma_start3A_27] : memref<4096x128xf32, #tpu.memory_space<hbm>> -> memref<4096x128xf32, #tpu.memory_space<hbm>>
      tpu.enqueue_indirect_dma source(%dma_start3A_28 : memref<4096x128xf32, #tpu.memory_space<hbm>>) target(%arg12 : memref<128x128xf32, #tpu.memory_space<vmem>>) offsets(%arg8 : memref<128xi32, #tpu.memory_space<vmem>>) semaphore(%arg14 : memref<!tpu.dma_semaphore, #tpu.memory_space<semaphore_mem>>)
      %dma_wait3A_29 = arith.constant 0 : i32
      %dma_wait3A_30 = arith.constant 0 : i32
      %dma_wait3A_31 = tpu.memref_slice %arg2[%dma_wait3A_29, %dma_wait3A_30] : memref<4096x128xf32, #tpu.memory_space<hbm>> -> memref<4096x128xf32, #tpu.memory_space<hbm>>
      tpu.wait_indirect_dma semaphore(%arg14 : memref<!tpu.dma_semaphore, #tpu.memory_space<semaphore_mem>>) src(%dma_wait3A_31 : memref<4096x128xf32, #tpu.memory_space<hbm>>) dst(%arg12 : memref<128x128xf32, #tpu.memory_space<vmem>>)
      %scan3A_32 = arith.constant 0 : i32
      %scan3A_33 = arith.constant 0 : i32
      %scan3A_34 = arith.constant 128 : i32
      %scan3A_35 = arith.addi %scan3A_33, %scan3A_34 : i32
      %scan3A_36 = arith.constant 1 : i32
      %scan3A_37 = scf.for %scan3A_40 = %scan3A_33 to %scan3A_35 step %scan3A_36 iter_args(%scan3A_41 = %scan3A_32) -> (i32)  : i32 {
        %get3A = arith.index_cast %scan3A_40 : i32 to index
        %get3A_42 = arith.constant 0 : index
        %get3A_43 = tpu.vector_load %arg9[%get3A, %get3A_42] {strides = array<i32>} : memref<128x48xf32, #tpu.memory_space<vmem>>, vector<1x16xf32>,
        %get3A_44 = vector.shape_cast %get3A_43 : vector<1x16xf32> to vector<16xf32>
        %get3A_45 = arith.index_cast %scan3A_40 : i32 to index
        %get3A_46 = arith.constant 16 : index
        %get3A_47 = tpu.vector_load %arg9[%get3A_45, %get3A_46] {strides = array<i32>} : memref<128x48xf32, #tpu.memory_space<vmem>>, vector<1x16xf32>,
        %get3A_48 = vector.shape_cast %get3A_47 : vector<1x16xf32> to vector<16xf32>
        %get3A_49 = arith.index_cast %scan3A_40 : i32 to index
        %get3A_50 = arith.constant 32 : index
        %get3A_51 = tpu.vector_load %arg9[%get3A_49, %get3A_50] {strides = array<i32>} : memref<128x48xf32, #tpu.memory_space<vmem>>, vector<1x16xf32>,
        %get3A_52 = vector.shape_cast %get3A_51 : vector<1x16xf32> to vector<16xf32>
        %get3A_53 = arith.index_cast %scan3A_40 : i32 to index
        %get3A_54 = arith.constant 0 : index
        %get3A_55 = tpu.vector_load %arg10[%get3A_53, %get3A_54] {strides = array<i32>} : memref<128x128xf32, #tpu.memory_space<vmem>>, vector<1x16xf32>,
        %get3A_56 = vector.shape_cast %get3A_55 : vector<1x16xf32> to vector<16xf32>
        %mul3A_57 = arith.mulf %get3A_44, %get3A_56 : vector<16xf32>
        %get3A_58 = arith.index_cast %scan3A_40 : i32 to index
        %get3A_59 = arith.constant 0 : index
        %get3A_60 = tpu.vector_load %arg11[%get3A_58, %get3A_59] {strides = array<i32>} : memref<128x128xf32, #tpu.memory_space<vmem>>, vector<1x16xf32>,
        %get3A_61 = vector.shape_cast %get3A_60 : vector<1x16xf32> to vector<16xf32>
        %mul3A_62 = arith.mulf %get3A_48, %get3A_61 : vector<16xf32>
        %add3A_63 = arith.addf %mul3A_57, %mul3A_62 : vector<16xf32>
        %get3A_64 = arith.index_cast %scan3A_40 : i32 to index
        %get3A_65 = arith.constant 0 : index
        %get3A_66 = tpu.vector_load %arg12[%get3A_64, %get3A_65] {strides = array<i32>} : memref<128x128xf32, #tpu.memory_space<vmem>>, vector<1x16xf32>,
        %get3A_67 = vector.shape_cast %get3A_66 : vector<1x16xf32> to vector<16xf32>
        %mul3A_68 = arith.mulf %get3A_52, %get3A_67 : vector<16xf32>
        %add3A_69 = arith.addf %add3A_63, %mul3A_68 : vector<16xf32>
        %swap3A = arith.index_cast %scan3A_40 : i32 to index
        %swap3A_70 = arith.constant 0 : index
        %swap3A_71 = tpu.vector_load %arg13[%swap3A, %swap3A_70] {strides = array<i32>} : memref<128x128xf32, #tpu.memory_space<vmem>>, vector<1x16xf32>,
        %swap3A_72 = vector.shape_cast %swap3A_71 : vector<1x16xf32> to vector<16xf32>
        %swap3A_73 = vector.shape_cast %add3A_69 : vector<16xf32> to vector<1x16xf32>
        tpu.vector_store %arg13[%swap3A, %swap3A_70], %swap3A_73 {strides = array<i32>} : memref<128x128xf32, #tpu.memory_space<vmem>>, vector<1x16xf32>,
        %get3A_74 = arith.index_cast %scan3A_40 : i32 to index
        %get3A_75 = arith.constant 16 : index
        %get3A_76 = tpu.vector_load %arg10[%get3A_74, %get3A_75] {strides = array<i32>} : memref<128x128xf32, #tpu.memory_space<vmem>>, vector<1x16xf32>,
        %get3A_77 = vector.shape_cast %get3A_76 : vector<1x16xf32> to vector<16xf32>
        %mul3A_78 = arith.mulf %get3A_44, %get3A_77 : vector<16xf32>
        %get3A_79 = arith.index_cast %scan3A_40 : i32 to index
        %get3A_80 = arith.constant 16 : index
        %get3A_81 = tpu.vector_load %arg11[%get3A_79, %get3A_80] {strides = array<i32>} : memref<128x128xf32, #tpu.memory_space<vmem>>, vector<1x16xf32>,
        %get3A_82 = vector.shape_cast %get3A_81 : vector<1x16xf32> to vector<16xf32>
        %mul3A_83 = arith.mulf %get3A_48, %get3A_82 : vector<16xf32>
        %add3A_84 = arith.addf %mul3A_78, %mul3A_83 : vector<16xf32>
        %get3A_85 = arith.index_cast %scan3A_40 : i32 to index
        %get3A_86 = arith.constant 16 : index
        %get3A_87 = tpu.vector_load %arg12[%get3A_85, %get3A_86] {strides = array<i32>} : memref<128x128xf32, #tpu.memory_space<vmem>>, vector<1x16xf32>,
        %get3A_88 = vector.shape_cast %get3A_87 : vector<1x16xf32> to vector<16xf32>
        %mul3A_89 = arith.mulf %get3A_52, %get3A_88 : vector<16xf32>
        %add3A_90 = arith.addf %add3A_84, %mul3A_89 : vector<16xf32>
        %swap3A_91 = arith.index_cast %scan3A_40 : i32 to index
        %swap3A_92 = arith.constant 16 : index
        %swap3A_93 = tpu.vector_load %arg13[%swap3A_91, %swap3A_92] {strides = array<i32>} : memref<128x128xf32, #tpu.memory_space<vmem>>, vector<1x16xf32>,
        %swap3A_94 = vector.shape_cast %swap3A_93 : vector<1x16xf32> to vector<16xf32>
        %swap3A_95 = vector.shape_cast %add3A_90 : vector<16xf32> to vector<1x16xf32>
        tpu.vector_store %arg13[%swap3A_91, %swap3A_92], %swap3A_95 {strides = array<i32>} : memref<128x128xf32, #tpu.memory_space<vmem>>, vector<1x16xf32>,
        %get3A_96 = arith.index_cast %scan3A_40 : i32 to index
        %get3A_97 = arith.constant 32 : index
        %get3A_98 = tpu.vector_load %arg10[%get3A_96, %get3A_97] {strides = array<i32>} : memref<128x128xf32, #tpu.memory_space<vmem>>, vector<1x16xf32>,
        %get3A_99 = vector.shape_cast %get3A_98 : vector<1x16xf32> to vector<16xf32>
        %mul3A_100 = arith.mulf %get3A_44, %get3A_99 : vector<16xf32>
        %get3A_101 = arith.index_cast %scan3A_40 : i32 to index
        %get3A_102 = arith.constant 32 : index
        %get3A_103 = tpu.vector_load %arg11[%get3A_101, %get3A_102] {strides = array<i32>} : memref<128x128xf32, #tpu.memory_space<vmem>>, vector<1x16xf32>,
        %get3A_104 = vector.shape_cast %get3A_103 : vector<1x16xf32> to vector<16xf32>
        %mul3A_105 = arith.mulf %get3A_48, %get3A_104 : vector<16xf32>
        %add3A_106 = arith.addf %mul3A_100, %mul3A_105 : vector<16xf32>
        %get3A_107 = arith.index_cast %scan3A_40 : i32 to index
        %get3A_108 = arith.constant 32 : index
        %get3A_109 = tpu.vector_load %arg12[%get3A_107, %get3A_108] {strides = array<i32>} : memref<128x128xf32, #tpu.memory_space<vmem>>, vector<1x16xf32>,
        %get3A_110 = vector.shape_cast %get3A_109 : vector<1x16xf32> to vector<16xf32>
        %mul3A_111 = arith.mulf %get3A_52, %get3A_110 : vector<16xf32>
        %add3A_112 = arith.addf %add3A_106, %mul3A_111 : vector<16xf32>
        %swap3A_113 = arith.index_cast %scan3A_40 : i32 to index
        %swap3A_114 = arith.constant 32 : index
        %swap3A_115 = tpu.vector_load %arg13[%swap3A_113, %swap3A_114] {strides = array<i32>} : memref<128x128xf32, #tpu.memory_space<vmem>>, vector<1x16xf32>,
        %swap3A_116 = vector.shape_cast %swap3A_115 : vector<1x16xf32> to vector<16xf32>
        %swap3A_117 = vector.shape_cast %add3A_112 : vector<16xf32> to vector<1x16xf32>
        tpu.vector_store %arg13[%swap3A_113, %swap3A_114], %swap3A_117 {strides = array<i32>} : memref<128x128xf32, #tpu.memory_space<vmem>>, vector<1x16xf32>,
        %get3A_118 = arith.index_cast %scan3A_40 : i32 to index
        %get3A_119 = arith.constant 48 : index
        %get3A_120 = tpu.vector_load %arg10[%get3A_118, %get3A_119] {strides = array<i32>} : memref<128x128xf32, #tpu.memory_space<vmem>>, vector<1x16xf32>,
        %get3A_121 = vector.shape_cast %get3A_120 : vector<1x16xf32> to vector<16xf32>
        %mul3A_122 = arith.mulf %get3A_44, %get3A_121 : vector<16xf32>
        %get3A_123 = arith.index_cast %scan3A_40 : i32 to index
        %get3A_124 = arith.constant 48 : index
        %get3A_125 = tpu.vector_load %arg11[%get3A_123, %get3A_124] {strides = array<i32>} : memref<128x128xf32, #tpu.memory_space<vmem>>, vector<1x16xf32>,
        %get3A_126 = vector.shape_cast %get3A_125 : vector<1x16xf32> to vector<16xf32>
        %mul3A_127 = arith.mulf %get3A_48, %get3A_126 : vector<16xf32>
        %add3A_128 = arith.addf %mul3A_122, %mul3A_127 : vector<16xf32>
        %get3A_129 = arith.index_cast %scan3A_40 : i32 to index
        %get3A_130 = arith.constant 48 : index
        %get3A_131 = tpu.vector_load %arg12[%get3A_129, %get3A_130] {strides = array<i32>} : memref<128x128xf32, #tpu.memory_space<vmem>>, vector<1x16xf32>,
        %get3A_132 = vector.shape_cast %get3A_131 : vector<1x16xf32> to vector<16xf32>
        %mul3A_133 = arith.mulf %get3A_52, %get3A_132 : vector<16xf32>
        %add3A_134 = arith.addf %add3A_128, %mul3A_133 : vector<16xf32>
        %swap3A_135 = arith.index_cast %scan3A_40 : i32 to index
        %swap3A_136 = arith.constant 48 : index
        %swap3A_137 = tpu.vector_load %arg13[%swap3A_135, %swap3A_136] {strides = array<i32>} : memref<128x128xf32, #tpu.memory_space<vmem>>, vector<1x16xf32>,
        %swap3A_138 = vector.shape_cast %swap3A_137 : vector<1x16xf32> to vector<16xf32>
        %swap3A_139 = vector.shape_cast %add3A_134 : vector<16xf32> to vector<1x16xf32>
        tpu.vector_store %arg13[%swap3A_135, %swap3A_136], %swap3A_139 {strides = array<i32>} : memref<128x128xf32, #tpu.memory_space<vmem>>, vector<1x16xf32>,
        %get3A_140 = arith.index_cast %scan3A_40 : i32 to index
        %get3A_141 = arith.constant 64 : index
        %get3A_142 = tpu.vector_load %arg10[%get3A_140, %get3A_141] {strides = array<i32>} : memref<128x128xf32, #tpu.memory_space<vmem>>, vector<1x16xf32>,
        %get3A_143 = vector.shape_cast %get3A_142 : vector<1x16xf32> to vector<16xf32>
        %mul3A_144 = arith.mulf %get3A_44, %get3A_143 : vector<16xf32>
        %get3A_145 = arith.index_cast %scan3A_40 : i32 to index
        %get3A_146 = arith.constant 64 : index
        %get3A_147 = tpu.vector_load %arg11[%get3A_145, %get3A_146] {strides = array<i32>} : memref<128x128xf32, #tpu.memory_space<vmem>>, vector<1x16xf32>,
        %get3A_148 = vector.shape_cast %get3A_147 : vector<1x16xf32> to vector<16xf32>
        %mul3A_149 = arith.mulf %get3A_48, %get3A_148 : vector<16xf32>
        %add3A_150 = arith.addf %mul3A_144, %mul3A_149 : vector<16xf32>
        %get3A_151 = arith.index_cast %scan3A_40 : i32 to index
        %get3A_152 = arith.constant 64 : index
        %get3A_153 = tpu.vector_load %arg12[%get3A_151, %get3A_152] {strides = array<i32>} : memref<128x128xf32, #tpu.memory_space<vmem>>, vector<1x16xf32>,
        %get3A_154 = vector.shape_cast %get3A_153 : vector<1x16xf32> to vector<16xf32>
        %mul3A_155 = arith.mulf %get3A_52, %get3A_154 : vector<16xf32>
        %add3A_156 = arith.addf %add3A_150, %mul3A_155 : vector<16xf32>
        %swap3A_157 = arith.index_cast %scan3A_40 : i32 to index
        %swap3A_158 = arith.constant 64 : index
        %swap3A_159 = tpu.vector_load %arg13[%swap3A_157, %swap3A_158] {strides = array<i32>} : memref<128x128xf32, #tpu.memory_space<vmem>>, vector<1x16xf32>,
        %swap3A_160 = vector.shape_cast %swap3A_159 : vector<1x16xf32> to vector<16xf32>
        %swap3A_161 = vector.shape_cast %add3A_156 : vector<16xf32> to vector<1x16xf32>
        tpu.vector_store %arg13[%swap3A_157, %swap3A_158], %swap3A_161 {strides = array<i32>} : memref<128x128xf32, #tpu.memory_space<vmem>>, vector<1x16xf32>,
        %get3A_162 = arith.index_cast %scan3A_40 : i32 to index
        %get3A_163 = arith.constant 80 : index
        %get3A_164 = tpu.vector_load %arg10[%get3A_162, %get3A_163] {strides = array<i32>} : memref<128x128xf32, #tpu.memory_space<vmem>>, vector<1x16xf32>,
        %get3A_165 = vector.shape_cast %get3A_164 : vector<1x16xf32> to vector<16xf32>
        %mul3A_166 = arith.mulf %get3A_44, %get3A_165 : vector<16xf32>
        %get3A_167 = arith.index_cast %scan3A_40 : i32 to index
        %get3A_168 = arith.constant 80 : index
        %get3A_169 = tpu.vector_load %arg11[%get3A_167, %get3A_168] {strides = array<i32>} : memref<128x128xf32, #tpu.memory_space<vmem>>, vector<1x16xf32>,
        %get3A_170 = vector.shape_cast %get3A_169 : vector<1x16xf32> to vector<16xf32>
        %mul3A_171 = arith.mulf %get3A_48, %get3A_170 : vector<16xf32>
        %add3A_172 = arith.addf %mul3A_166, %mul3A_171 : vector<16xf32>
        %get3A_173 = arith.index_cast %scan3A_40 : i32 to index
        %get3A_174 = arith.constant 80 : index
        %get3A_175 = tpu.vector_load %arg12[%get3A_173, %get3A_174] {strides = array<i32>} : memref<128x128xf32, #tpu.memory_space<vmem>>, vector<1x16xf32>,
        %get3A_176 = vector.shape_cast %get3A_175 : vector<1x16xf32> to vector<16xf32>
        %mul3A_177 = arith.mulf %get3A_52, %get3A_176 : vector<16xf32>
        %add3A_178 = arith.addf %add3A_172, %mul3A_177 : vector<16xf32>
        %swap3A_179 = arith.index_cast %scan3A_40 : i32 to index
        %swap3A_180 = arith.constant 80 : index
        %swap3A_181 = tpu.vector_load %arg13[%swap3A_179, %swap3A_180] {strides = array<i32>} : memref<128x128xf32, #tpu.memory_space<vmem>>, vector<1x16xf32>,
        %swap3A_182 = vector.shape_cast %swap3A_181 : vector<1x16xf32> to vector<16xf32>
        %swap3A_183 = vector.shape_cast %add3A_178 : vector<16xf32> to vector<1x16xf32>
        tpu.vector_store %arg13[%swap3A_179, %swap3A_180], %swap3A_183 {strides = array<i32>} : memref<128x128xf32, #tpu.memory_space<vmem>>, vector<1x16xf32>,
        %get3A_184 = arith.index_cast %scan3A_40 : i32 to index
        %get3A_185 = arith.constant 96 : index
        %get3A_186 = tpu.vector_load %arg10[%get3A_184, %get3A_185] {strides = array<i32>} : memref<128x128xf32, #tpu.memory_space<vmem>>, vector<1x16xf32>,
        %get3A_187 = vector.shape_cast %get3A_186 : vector<1x16xf32> to vector<16xf32>
        %mul3A_188 = arith.mulf %get3A_44, %get3A_187 : vector<16xf32>
        %get3A_189 = arith.index_cast %scan3A_40 : i32 to index
        %get3A_190 = arith.constant 96 : index
        %get3A_191 = tpu.vector_load %arg11[%get3A_189, %get3A_190] {strides = array<i32>} : memref<128x128xf32, #tpu.memory_space<vmem>>, vector<1x16xf32>,
        %get3A_192 = vector.shape_cast %get3A_191 : vector<1x16xf32> to vector<16xf32>
        %mul3A_193 = arith.mulf %get3A_48, %get3A_192 : vector<16xf32>
        %add3A_194 = arith.addf %mul3A_188, %mul3A_193 : vector<16xf32>
        %get3A_195 = arith.index_cast %scan3A_40 : i32 to index
        %get3A_196 = arith.constant 96 : index
        %get3A_197 = tpu.vector_load %arg12[%get3A_195, %get3A_196] {strides = array<i32>} : memref<128x128xf32, #tpu.memory_space<vmem>>, vector<1x16xf32>,
        %get3A_198 = vector.shape_cast %get3A_197 : vector<1x16xf32> to vector<16xf32>
        %mul3A_199 = arith.mulf %get3A_52, %get3A_198 : vector<16xf32>
        %add3A_200 = arith.addf %add3A_194, %mul3A_199 : vector<16xf32>
        %swap3A_201 = arith.index_cast %scan3A_40 : i32 to index
        %swap3A_202 = arith.constant 96 : index
        %swap3A_203 = tpu.vector_load %arg13[%swap3A_201, %swap3A_202] {strides = array<i32>} : memref<128x128xf32, #tpu.memory_space<vmem>>, vector<1x16xf32>,
        %swap3A_204 = vector.shape_cast %swap3A_203 : vector<1x16xf32> to vector<16xf32>
        %swap3A_205 = vector.shape_cast %add3A_200 : vector<16xf32> to vector<1x16xf32>
        tpu.vector_store %arg13[%swap3A_201, %swap3A_202], %swap3A_205 {strides = array<i32>} : memref<128x128xf32, #tpu.memory_space<vmem>>, vector<1x16xf32>,
        %get3A_206 = arith.index_cast %scan3A_40 : i32 to index
        %get3A_207 = arith.constant 112 : index
        %get3A_208 = tpu.vector_load %arg10[%get3A_206, %get3A_207] {strides = array<i32>} : memref<128x128xf32, #tpu.memory_space<vmem>>, vector<1x16xf32>,
        %get3A_209 = vector.shape_cast %get3A_208 : vector<1x16xf32> to vector<16xf32>
        %mul3A_210 = arith.mulf %get3A_44, %get3A_209 : vector<16xf32>
        %get3A_211 = arith.index_cast %scan3A_40 : i32 to index
        %get3A_212 = arith.constant 112 : index
        %get3A_213 = tpu.vector_load %arg11[%get3A_211, %get3A_212] {strides = array<i32>} : memref<128x128xf32, #tpu.memory_space<vmem>>, vector<1x16xf32>,
        %get3A_214 = vector.shape_cast %get3A_213 : vector<1x16xf32> to vector<16xf32>
        %mul3A_215 = arith.mulf %get3A_48, %get3A_214 : vector<16xf32>
        %add3A_216 = arith.addf %mul3A_210, %mul3A_215 : vector<16xf32>
        %get3A_217 = arith.index_cast %scan3A_40 : i32 to index
        %get3A_218 = arith.constant 112 : index
        %get3A_219 = tpu.vector_load %arg12[%get3A_217, %get3A_218] {strides = array<i32>} : memref<128x128xf32, #tpu.memory_space<vmem>>, vector<1x16xf32>,
        %get3A_220 = vector.shape_cast %get3A_219 : vector<1x16xf32> to vector<16xf32>
        %mul3A_221 = arith.mulf %get3A_52, %get3A_220 : vector<16xf32>
        %add3A_222 = arith.addf %add3A_216, %mul3A_221 : vector<16xf32>
        %swap3A_223 = arith.index_cast %scan3A_40 : i32 to index
        %swap3A_224 = arith.constant 112 : index
        %swap3A_225 = tpu.vector_load %arg13[%swap3A_223, %swap3A_224] {strides = array<i32>} : memref<128x128xf32, #tpu.memory_space<vmem>>, vector<1x16xf32>,
        %swap3A_226 = vector.shape_cast %swap3A_225 : vector<1x16xf32> to vector<16xf32>
        %swap3A_227 = vector.shape_cast %add3A_222 : vector<16xf32> to vector<1x16xf32>
        tpu.vector_store %arg13[%swap3A_223, %swap3A_224], %swap3A_227 {strides = array<i32>} : memref<128x128xf32, #tpu.memory_space<vmem>>, vector<1x16xf32>,
        %scan3A_228 = arith.constant 0 : i32
        scf.yield %scan3A_228 : i32
      }
      %scan3A_38 = arith.constant 128 : i32
      "tpu.region"() ({
        %run_scoped3A_40 = tpu.sem_alloc : memref<!tpu.dma_semaphore, #tpu.memory_space<semaphore_mem>>
        %dma_start3A_41 = arith.constant 0 : i32
        %dma_start3A_42 = tpu.memref_slice %arg5[%add3A_13, %dma_start3A_41] : memref<65536x128xf32, #tpu.memory_space<hbm>> -> memref<128x128xf32, #tpu.memory_space<hbm>>
        %dma_start3A_43 = arith.constant 0 : i32
        %dma_start3A_44 = tpu.memref_slice %arg5[%add3A_13, %dma_start3A_43] : memref<65536x128xf32, #tpu.memory_space<hbm>> -> memref<128x128xf32, #tpu.memory_space<hbm>>
        tpu.enqueue_dma source(%arg13 : memref<128x128xf32, #tpu.memory_space<vmem>>) target(%dma_start3A_44 : memref<128x128xf32, #tpu.memory_space<hbm>>) target_semaphore(%run_scoped3A_40 : memref<!tpu.dma_semaphore, #tpu.memory_space<semaphore_mem>>)
        %dma_wait3A_45 = arith.constant 0 : i32
        %dma_wait3A_46 = tpu.memref_slice %arg5[%add3A_13, %dma_wait3A_45] : memref<65536x128xf32, #tpu.memory_space<hbm>> -> memref<128x128xf32, #tpu.memory_space<hbm>>
        %dma_wait3A_47 = arith.constant 0 : i32
        %dma_wait3A_48 = tpu.memref_slice %arg5[%add3A_13, %dma_wait3A_47] : memref<65536x128xf32, #tpu.memory_space<hbm>> -> memref<128x128xf32, #tpu.memory_space<hbm>>
        tpu.wait_dma2 semaphore(%run_scoped3A_40 : memref<!tpu.dma_semaphore, #tpu.memory_space<semaphore_mem>>) src(%arg13 : memref<128x128xf32, #tpu.memory_space<vmem>>) dst(%dma_wait3A_48 : memref<128x128xf32, #tpu.memory_space<hbm>>)
        tpu.yield
      }) : () -> ()
      %scan3A_39 = arith.constant 0 : i32
      scf.yield %scan3A_39 : i32
    }
    %scan3A_8 = arith.constant 16 : i32
    return
  }
}

module attributes {stable_mosaic.version = 14 : i64} {
  func.func @_k1a_body(%arg0: i32, %arg1: i32, %arg2: memref<1x2048x3xf32, #tpu.memory_space<vmem>>, %arg3: memref<1x1024x3xf32, #tpu.memory_space<vmem>>, %arg4: memref<8x128xf32, #tpu.memory_space<vmem>>, %arg5: memref<1x8x2048xi32, #tpu.memory_space<vmem>>, %arg6: memref<1x2048x48xf32, #tpu.memory_space<vmem>>) attributes {dimension_semantics = [#tpu.dimension_semantics<arbitrary>, #tpu.dimension_semantics<arbitrary>], iteration_bounds = array<i64: 4, 8>, scalar_prefetch = 0 : i64, scratch_operands = 0 : i64, tpu.core_type = #tpu.core_type<tc>, window_params = [{transform_indices = @transform_0, window_bounds = array<i64: 1, 2048, 3>}, {transform_indices = @transform_1, window_bounds = array<i64: 1, 1024, 3>}, {pipeline_mode = #tpu.pipeline_mode<synchronous>, transform_indices = @transform_2, window_bounds = array<i64: 8, 128>}, {transform_indices = @transform_3, window_bounds = array<i64: 1, 8, 2048>}, {transform_indices = @transform_4, window_bounds = array<i64: 1, 2048, 48>}]} {
    %get3A = arith.constant 0 : index
    %get3A_0 = arith.constant 0 : index
    %get3A_1 = arith.constant 0 : index
    %get3A_2 = vector.load %arg2[%get3A, %get3A_0, %get3A_1] : memref<1x2048x3xf32, #tpu.memory_space<vmem>>, vector<1x2048x3xf32>
    %get3A_3 = vector.shape_cast %get3A_2 : vector<1x2048x3xf32> to vector<2048x3xf32>
    %get3A_4 = arith.constant 0 : index
    %get3A_5 = arith.constant 0 : index
    %get3A_6 = arith.constant 0 : index
    %get3A_7 = vector.load %arg3[%get3A_4, %get3A_5, %get3A_6] : memref<1x1024x3xf32, #tpu.memory_space<vmem>>, vector<1x1024x3xf32>
    %get3A_8 = vector.shape_cast %get3A_7 : vector<1x1024x3xf32> to vector<1024x3xf32>
    %mul3A = arith.mulf %get3A_3, %get3A_3 : vector<2048x3xf32>
    %reduce_sum3A = arith.constant dense<0.000000e+00> : vector<2048xf32>
    %reduce_sum3A_9 = vector.multi_reduction <add>, %mul3A, %reduce_sum3A [1] : vector<2048x3xf32> to vector<2048xf32>
    %broadcast_in_dim3A = vector.shape_cast %reduce_sum3A_9 : vector<2048xf32> to vector<2048x1xf32>
    %mul3A_10 = arith.mulf %get3A_8, %get3A_8 : vector<1024x3xf32>
    %reduce_sum3A_11 = arith.constant dense<0.000000e+00> : vector<1024xf32>
    %reduce_sum3A_12 = vector.multi_reduction <add>, %mul3A_10, %reduce_sum3A_11 [1] : vector<1024x3xf32> to vector<1024xf32>
    %mul3A_13 = arith.constant -2.000000e+00 : f32
    %mul3A_14 = vector.broadcast %mul3A_13 : f32 to vector<1024x3xf32>
    %mul3A_15 = arith.mulf %mul3A_14, %get3A_8 : vector<1024x3xf32>
    %dot_general3A = arith.constant dense<0.000000e+00> : vector<2048x1024xf32>
    %dot_general3A_16 = tpu.matmul %get3A_3, %mul3A_15, %dot_general3A {dimension_numbers = #tpu.dot_dimension_numbers<[1], [1], [0], [0], [0, 0, 1, 0], [], []>, transpose_lhs_hint = false} : vector<2048x3xf32>, vector<1024x3xf32>, vector<2048x1024xf32> -> vector<2048x1024xf32>
    %add3A = vector.broadcast %broadcast_in_dim3A : vector<2048x1xf32> to vector<2048x1024xf32>
    %add3A_17 = arith.addf %dot_general3A_16, %add3A : vector<2048x1024xf32>
    %broadcast_in_dim3A_18 = vector.shape_cast %reduce_sum3A_12 : vector<1024xf32> to vector<1x1024xf32>
    %add3A_19 = vector.broadcast %broadcast_in_dim3A_18 : vector<1x1024xf32> to vector<2048x1024xf32>
    %add3A_20 = arith.addf %add3A_17, %add3A_19 : vector<2048x1024xf32>
    %max3A = arith.constant 0.000000e+00 : f32
    %max3A_21 = vector.broadcast %max3A : f32 to vector<2048x1024xf32>
    %max3A_22 = arith.maximumf %add3A_20, %max3A_21 : vector<2048x1024xf32>
    %iota3A = tpu.iota {dimensions = array<i32: 1>} : vector<2048x1024xi32>
    %reduce_min3A = arith.constant dense<0x7F800000> : vector<2048xf32>
    %reduce_min3A_23 = vector.multi_reduction <minimumf>, %max3A_22, %reduce_min3A [1] : vector<2048x1024xf32> to vector<2048xf32>
    %broadcast_in_dim3A_24 = vector.shape_cast %reduce_min3A_23 : vector<2048xf32> to vector<2048x1xf32>
    %eq3A = vector.broadcast %broadcast_in_dim3A_24 : vector<2048x1xf32> to vector<2048x1024xf32>
    %eq3A_25 = arith.cmpf oeq, %max3A_22, %eq3A : vector<2048x1024xf32>
    %jit3A = arith.constant 1024 : i32
    %broadcast_in_dim3A_26 = vector.broadcast %jit3A : i32 to vector<2048x1024xi32>
    %select_n3A = arith.select %eq3A_25, %iota3A, %broadcast_in_dim3A_26 : vector<2048x1024xi1>, vector<2048x1024xi32>
    %reduce_min3A_27 = arith.constant dense<2147483647> : vector<2048xi32>
    %reduce_min3A_28 = vector.multi_reduction <minsi>, %select_n3A, %reduce_min3A_27 [1] : vector<2048x1024xi32> to vector<2048xi32>
    %broadcast_in_dim3A_29 = vector.shape_cast %reduce_min3A_28 : vector<2048xi32> to vector<2048x1xi32>
    %eq3A_30 = vector.broadcast %broadcast_in_dim3A_29 : vector<2048x1xi32> to vector<2048x1024xi32>
    %eq3A_31 = arith.cmpi eq, %iota3A, %eq3A_30 : vector<2048x1024xi32>
    %jit3A_32 = arith.constant 0x7F800000 : f32
    %broadcast_in_dim3A_33 = vector.broadcast %jit3A_32 : f32 to vector<2048x1024xf32>
    %select_n3A_34 = arith.select %eq3A_31, %broadcast_in_dim3A_33, %max3A_22 : vector<2048x1024xi1>, vector<2048x1024xf32>
    %reduce_min3A_35 = arith.constant dense<0x7F800000> : vector<2048xf32>
    %reduce_min3A_36 = vector.multi_reduction <minimumf>, %select_n3A_34, %reduce_min3A_35 [1] : vector<2048x1024xf32> to vector<2048xf32>
    %broadcast_in_dim3A_37 = vector.shape_cast %reduce_min3A_36 : vector<2048xf32> to vector<2048x1xf32>
    %eq3A_38 = vector.broadcast %broadcast_in_dim3A_37 : vector<2048x1xf32> to vector<2048x1024xf32>
    %eq3A_39 = arith.cmpf oeq, %select_n3A_34, %eq3A_38 : vector<2048x1024xf32>
    %jit3A_40 = arith.constant 1024 : i32
    %broadcast_in_dim3A_41 = vector.broadcast %jit3A_40 : i32 to vector<2048x1024xi32>
    %select_n3A_42 = arith.select %eq3A_39, %iota3A, %broadcast_in_dim3A_41 : vector<2048x1024xi1>, vector<2048x1024xi32>
    %reduce_min3A_43 = arith.constant dense<2147483647> : vector<2048xi32>
    %reduce_min3A_44 = vector.multi_reduction <minsi>, %select_n3A_42, %reduce_min3A_43 [1] : vector<2048x1024xi32> to vector<2048xi32>
    %broadcast_in_dim3A_45 = vector.shape_cast %reduce_min3A_44 : vector<2048xi32> to vector<2048x1xi32>
    %eq3A_46 = vector.broadcast %broadcast_in_dim3A_45 : vector<2048x1xi32> to vector<2048x1024xi32>
    %eq3A_47 = arith.cmpi eq, %iota3A, %eq3A_46 : vector<2048x1024xi32>
    %jit3A_48 = arith.constant 0x7F800000 : f32
    %broadcast_in_dim3A_49 = vector.broadcast %jit3A_48 : f32 to vector<2048x1024xf32>
    %select_n3A_50 = arith.select %eq3A_47, %broadcast_in_dim3A_49, %select_n3A_34 : vector<2048x1024xi1>, vector<2048x1024xf32>
    %reduce_min3A_51 = arith.constant dense<0x7F800000> : vector<2048xf32>
    %reduce_min3A_52 = vector.multi_reduction <minimumf>, %select_n3A_50, %reduce_min3A_51 [1] : vector<2048x1024xf32> to vector<2048xf32>
    %broadcast_in_dim3A_53 = vector.shape_cast %reduce_min3A_52 : vector<2048xf32> to vector<2048x1xf32>
    %eq3A_54 = vector.broadcast %broadcast_in_dim3A_53 : vector<2048x1xf32> to vector<2048x1024xf32>
    %eq3A_55 = arith.cmpf oeq, %select_n3A_50, %eq3A_54 : vector<2048x1024xf32>
    %jit3A_56 = arith.constant 1024 : i32
    %broadcast_in_dim3A_57 = vector.broadcast %jit3A_56 : i32 to vector<2048x1024xi32>
    %select_n3A_58 = arith.select %eq3A_55, %iota3A, %broadcast_in_dim3A_57 : vector<2048x1024xi1>, vector<2048x1024xi32>
    %reduce_min3A_59 = arith.constant dense<2147483647> : vector<2048xi32>
    %reduce_min3A_60 = vector.multi_reduction <minsi>, %select_n3A_58, %reduce_min3A_59 [1] : vector<2048x1024xi32> to vector<2048xi32>
    %broadcast_in_dim3A_61 = vector.shape_cast %reduce_min3A_60 : vector<2048xi32> to vector<2048x1xi32>
    %sqrt3A = math.sqrt %broadcast_in_dim3A_24 : vector<2048x1xf32>
    %add3A_62 = arith.constant 9.99999993E-9 : f32
    %add3A_63 = vector.broadcast %add3A_62 : f32 to vector<2048x1xf32>
    %add3A_64 = arith.addf %sqrt3A, %add3A_63 : vector<2048x1xf32>
    %div3A = arith.constant 1.000000e+00 : f32
    %div3A_65 = vector.broadcast %div3A : f32 to vector<2048x1xf32>
    %div3A_66 = arith.divf %div3A_65, %add3A_64 : vector<2048x1xf32>
    %sqrt3A_67 = math.sqrt %broadcast_in_dim3A_37 : vector<2048x1xf32>
    %add3A_68 = arith.constant 9.99999993E-9 : f32
    %add3A_69 = vector.broadcast %add3A_68 : f32 to vector<2048x1xf32>
    %add3A_70 = arith.addf %sqrt3A_67, %add3A_69 : vector<2048x1xf32>
    %div3A_71 = arith.constant 1.000000e+00 : f32
    %div3A_72 = vector.broadcast %div3A_71 : f32 to vector<2048x1xf32>
    %div3A_73 = arith.divf %div3A_72, %add3A_70 : vector<2048x1xf32>
    %sqrt3A_74 = math.sqrt %broadcast_in_dim3A_53 : vector<2048x1xf32>
    %add3A_75 = arith.constant 9.99999993E-9 : f32
    %add3A_76 = vector.broadcast %add3A_75 : f32 to vector<2048x1xf32>
    %add3A_77 = arith.addf %sqrt3A_74, %add3A_76 : vector<2048x1xf32>
    %div3A_78 = arith.constant 1.000000e+00 : f32
    %div3A_79 = vector.broadcast %div3A_78 : f32 to vector<2048x1xf32>
    %div3A_80 = arith.divf %div3A_79, %add3A_77 : vector<2048x1xf32>
    %add3A_81 = arith.addf %div3A_66, %div3A_73 : vector<2048x1xf32>
    %add3A_82 = arith.addf %add3A_81, %div3A_80 : vector<2048x1xf32>
    %mul3A_83 = arith.constant 1024 : i32
    %mul3A_84 = arith.muli %arg0, %mul3A_83 : i32
    %broadcast_in_dim3A_85 = arith.constant 0 : i32
    %broadcast_in_dim3A_86 = vector.broadcast %broadcast_in_dim3A_85 : i32 to vector<5x2048xi32>
    %add3A_87 = vector.broadcast %mul3A_84 : i32 to vector<2048x1xi32>
    %add3A_88 = arith.addi %broadcast_in_dim3A_29, %add3A_87 : vector<2048x1xi32>
    %transpose3A = tpu.transpose %add3A_88, [1, 0] : vector<2048x1xi32> -> vector<1x2048xi32>
    %add3A_89 = vector.broadcast %mul3A_84 : i32 to vector<2048x1xi32>
    %add3A_90 = arith.addi %broadcast_in_dim3A_45, %add3A_89 : vector<2048x1xi32>
    %transpose3A_91 = tpu.transpose %add3A_90, [1, 0] : vector<2048x1xi32> -> vector<1x2048xi32>
    %add3A_92 = vector.broadcast %mul3A_84 : i32 to vector<2048x1xi32>
    %add3A_93 = arith.addi %broadcast_in_dim3A_61, %add3A_92 : vector<2048x1xi32>
    %transpose3A_94 = tpu.transpose %add3A_93, [1, 0] : vector<2048x1xi32> -> vector<1x2048xi32>
    %concatenate3A = tpu.concatenate %transpose3A, %transpose3A_91, %transpose3A_94, %broadcast_in_dim3A_86 in 0 : vector<1x2048xi32>, vector<1x2048xi32>, vector<1x2048xi32>, vector<5x2048xi32> -> vector<8x2048xi32>
    %swap3A = arith.constant 0 : index
    %swap3A_95 = arith.constant 0 : index
    %swap3A_96 = arith.constant 0 : index
    %swap3A_97 = vector.load %arg5[%swap3A, %swap3A_95, %swap3A_96] : memref<1x8x2048xi32, #tpu.memory_space<vmem>>, vector<1x8x2048xi32>
    %swap3A_98 = vector.shape_cast %swap3A_97 : vector<1x8x2048xi32> to vector<8x2048xi32>
    %swap3A_99 = vector.shape_cast %concatenate3A : vector<8x2048xi32> to vector<1x8x2048xi32>
    tpu.vector_store %arg5[%swap3A, %swap3A_95, %swap3A_96], %swap3A_99 {strides = array<i32>} : memref<1x8x2048xi32, #tpu.memory_space<vmem>>, vector<1x8x2048xi32>,
    %div3A_100 = arith.divf %div3A_66, %add3A_82 : vector<2048x1xf32>
    %broadcast_in_dim3A_101 = vector.shape_cast %div3A_100 : vector<2048x1xf32> to vector<2048x1xf32>
    %broadcast_in_dim3A_102 = vector.broadcast %broadcast_in_dim3A_101 : vector<2048x1xf32> to vector<2048x16xf32>
    %div3A_103 = arith.divf %div3A_73, %add3A_82 : vector<2048x1xf32>
    %broadcast_in_dim3A_104 = vector.shape_cast %div3A_103 : vector<2048x1xf32> to vector<2048x1xf32>
    %broadcast_in_dim3A_105 = vector.broadcast %broadcast_in_dim3A_104 : vector<2048x1xf32> to vector<2048x16xf32>
    %div3A_106 = arith.divf %div3A_80, %add3A_82 : vector<2048x1xf32>
    %broadcast_in_dim3A_107 = vector.shape_cast %div3A_106 : vector<2048x1xf32> to vector<2048x1xf32>
    %broadcast_in_dim3A_108 = vector.broadcast %broadcast_in_dim3A_107 : vector<2048x1xf32> to vector<2048x16xf32>
    %concatenate3A_109 = tpu.concatenate %broadcast_in_dim3A_102, %broadcast_in_dim3A_105, %broadcast_in_dim3A_108 in 1 : vector<2048x16xf32>, vector<2048x16xf32>, vector<2048x16xf32> -> vector<2048x48xf32>
    %swap3A_110 = arith.constant 0 : index
    %swap3A_111 = arith.constant 0 : index
    %swap3A_112 = arith.constant 0 : index
    %swap3A_113 = vector.load %arg6[%swap3A_110, %swap3A_111, %swap3A_112] : memref<1x2048x48xf32, #tpu.memory_space<vmem>>, vector<1x2048x48xf32>
    %swap3A_114 = vector.shape_cast %swap3A_113 : vector<1x2048x48xf32> to vector<2048x48xf32>
    %swap3A_115 = vector.shape_cast %concatenate3A_109 : vector<2048x48xf32> to vector<1x2048x48xf32>
    tpu.vector_store %arg6[%swap3A_110, %swap3A_111, %swap3A_112], %swap3A_115 {strides = array<i32>} : memref<1x2048x48xf32, #tpu.memory_space<vmem>>, vector<1x2048x48xf32>,
    return
  }
  func.func @transform_0(%arg0: i32, %arg1: i32) -> (i32, i32, i32) {
    %c0_i32 = arith.constant 0 : i32
    %c0_i32_0 = arith.constant 0 : i32
    return %arg0, %arg1, %c0_i32 : i32, i32, i32
  }
  func.func @transform_1(%arg0: i32, %arg1: i32) -> (i32, i32, i32) {
    %c0_i32 = arith.constant 0 : i32
    %c0_i32_0 = arith.constant 0 : i32
    %c0_i32_1 = arith.constant 0 : i32
    return %arg0, %c0_i32, %c0_i32_0 : i32, i32, i32
  }
  func.func @transform_2(%arg0: i32, %arg1: i32) -> (i32, i32) {
    %c0_i32 = arith.constant 0 : i32
    %c0_i32_0 = arith.constant 0 : i32
    %c0_i32_1 = arith.constant 0 : i32
    return %c0_i32, %c0_i32_0 : i32, i32
  }
  func.func @transform_3(%arg0: i32, %arg1: i32) -> (i32, i32, i32) {
    %c0_i32 = arith.constant 0 : i32
    %c0_i32_0 = arith.constant 0 : i32
    return %arg0, %c0_i32, %arg1 : i32, i32, i32
  }
  func.func @transform_4(%arg0: i32, %arg1: i32) -> (i32, i32, i32) {
    %c0_i32 = arith.constant 0 : i32
    %c0_i32_0 = arith.constant 0 : i32
    return %arg0, %arg1, %c0_i32 : i32, i32, i32
  }
}

module attributes {stable_mosaic.version = 14 : i64} {
  func.func @_k1b_body(%arg0: i32, %arg1: i32, %arg2: memref<1x64x2048xf32, #tpu.memory_space<vmem>>, %arg3: memref<1x2048x128xf32, #tpu.memory_space<vmem>>, %arg4: memref<64x128xf32, #tpu.memory_space<vmem>>, %arg5: memref<128x128xf32, #tpu.memory_space<vmem>>, %arg6: memref<8x128xf32, #tpu.memory_space<vmem>>, %arg7: memref<1x2048x128xf32, #tpu.memory_space<vmem>>, %arg8: memref<8x128xf32, #tpu.memory_space<vmem>>) attributes {dimension_semantics = [#tpu.dimension_semantics<arbitrary>, #tpu.dimension_semantics<arbitrary>], iteration_bounds = array<i64: 4, 8>, scalar_prefetch = 0 : i64, scratch_operands = 0 : i64, tpu.core_type = #tpu.core_type<tc>, window_params = [{transform_indices = @transform_0, window_bounds = array<i64: 1, 64, 2048>}, {transform_indices = @transform_1, window_bounds = array<i64: 1, 2048, 128>}, {pipeline_mode = #tpu.pipeline_mode<synchronous>, transform_indices = @transform_2, window_bounds = array<i64: 64, 128>}, {pipeline_mode = #tpu.pipeline_mode<synchronous>, transform_indices = @transform_3, window_bounds = array<i64: 128, 128>}, {pipeline_mode = #tpu.pipeline_mode<synchronous>, transform_indices = @transform_4, window_bounds = array<i64: 8, 128>}, {transform_indices = @transform_5, window_bounds = array<i64: 1, 2048, 128>}, {pipeline_mode = #tpu.pipeline_mode<synchronous>, transform_indices = @transform_6, window_bounds = array<i64: 8, 128>}]} {
    %get3A = arith.constant 0 : index
    %get3A_0 = arith.constant 0 : index
    %get3A_1 = arith.constant 0 : index
    %get3A_2 = vector.load %arg2[%get3A, %get3A_0, %get3A_1] : memref<1x64x2048xf32, #tpu.memory_space<vmem>>, vector<1x64x2048xf32>
    %get3A_3 = vector.shape_cast %get3A_2 : vector<1x64x2048xf32> to vector<64x2048xf32>
    %transpose3A = tpu.transpose %get3A_3, [1, 0] : vector<64x2048xf32> -> vector<2048x64xf32>
    %get3A_4 = arith.constant 0 : index
    %get3A_5 = arith.constant 0 : index
    %get3A_6 = vector.load %arg4[%get3A_4, %get3A_5] : memref<64x128xf32, #tpu.memory_space<vmem>>, vector<64x128xf32>
    %dot_general3A = arith.constant dense<0.000000e+00> : vector<2048x128xf32>
    %dot_general3A_7 = tpu.matmul %transpose3A, %get3A_6, %dot_general3A {dimension_numbers = #tpu.dot_dimension_numbers<[1], [0], [0], [1], [0, 0, 1, 1], [], []>, transpose_lhs_hint = false} : vector<2048x64xf32>, vector<64x128xf32>, vector<2048x128xf32> -> vector<2048x128xf32>
    %get3A_8 = arith.constant 0 : index
    %get3A_9 = arith.constant 0 : index
    %get3A_10 = arith.constant 0 : index
    %get3A_11 = vector.load %arg3[%get3A_8, %get3A_9, %get3A_10] : memref<1x2048x128xf32, #tpu.memory_space<vmem>>, vector<1x2048x128xf32>
    %get3A_12 = vector.shape_cast %get3A_11 : vector<1x2048x128xf32> to vector<2048x128xf32>
    %get3A_13 = arith.constant 0 : index
    %get3A_14 = arith.constant 0 : index
    %get3A_15 = vector.load %arg5[%get3A_13, %get3A_14] : memref<128x128xf32, #tpu.memory_space<vmem>>, vector<128x128xf32>
    %dot_general3A_16 = arith.constant dense<0.000000e+00> : vector<2048x128xf32>
    %dot_general3A_17 = tpu.matmul %get3A_12, %get3A_15, %dot_general3A_16 {dimension_numbers = #tpu.dot_dimension_numbers<[1], [0], [0], [1], [0, 0, 1, 1], [], []>, transpose_lhs_hint = false} : vector<2048x128xf32>, vector<128x128xf32>, vector<2048x128xf32> -> vector<2048x128xf32>
    %add3A = arith.addf %dot_general3A_7, %dot_general3A_17 : vector<2048x128xf32>
    %get3A_18 = arith.constant 0 : index
    %get3A_19 = arith.constant 0 : index
    %get3A_20 = vector.load %arg6[%get3A_18, %get3A_19] : memref<8x128xf32, #tpu.memory_space<vmem>>, vector<1x128xf32>
    %add3A_21 = vector.broadcast %get3A_20 : vector<1x128xf32> to vector<2048x128xf32>
    %add3A_22 = arith.addf %add3A, %add3A_21 : vector<2048x128xf32>
    %swap3A = arith.constant 0 : index
    %swap3A_23 = arith.constant 0 : index
    %swap3A_24 = arith.constant 0 : index
    %swap3A_25 = vector.load %arg7[%swap3A, %swap3A_23, %swap3A_24] : memref<1x2048x128xf32, #tpu.memory_space<vmem>>, vector<1x2048x128xf32>
    %swap3A_26 = vector.shape_cast %swap3A_25 : vector<1x2048x128xf32> to vector<2048x128xf32>
    %swap3A_27 = vector.shape_cast %add3A_22 : vector<2048x128xf32> to vector<1x2048x128xf32>
    tpu.vector_store %arg7[%swap3A, %swap3A_23, %swap3A_24], %swap3A_27 {strides = array<i32>} : memref<1x2048x128xf32, #tpu.memory_space<vmem>>, vector<1x2048x128xf32>,
    %reduce_sum3A = arith.constant dense<0.000000e+00> : vector<128xf32>
    %reduce_sum3A_28 = vector.multi_reduction <add>, %add3A_22, %reduce_sum3A [0] : vector<2048x128xf32> to vector<128xf32>
    %broadcast_in_dim3A = vector.shape_cast %reduce_sum3A_28 : vector<128xf32> to vector<1x128xf32>
    %mul3A = arith.mulf %add3A_22, %add3A_22 : vector<2048x128xf32>
    %reduce_sum3A_29 = arith.constant dense<0.000000e+00> : vector<128xf32>
    %reduce_sum3A_30 = vector.multi_reduction <add>, %mul3A, %reduce_sum3A_29 [0] : vector<2048x128xf32> to vector<128xf32>
    %broadcast_in_dim3A_31 = vector.shape_cast %reduce_sum3A_30 : vector<128xf32> to vector<1x128xf32>
    %broadcast_in_dim3A_32 = arith.constant 0.000000e+00 : f32
    %broadcast_in_dim3A_33 = vector.broadcast %broadcast_in_dim3A_32 : f32 to vector<6x128xf32>
    %concatenate3A = tpu.concatenate %broadcast_in_dim3A, %broadcast_in_dim3A_31, %broadcast_in_dim3A_33 in 0 : vector<1x128xf32>, vector<1x128xf32>, vector<6x128xf32> -> vector<8x128xf32>
    %eq3A = arith.constant 0 : i32
    %eq3A_34 = arith.cmpi eq, %arg0, %eq3A : i32
    %eq3A_35 = arith.constant 0 : i32
    %eq3A_36 = arith.cmpi eq, %arg1, %eq3A_35 : i32
    %and3A = arith.andi %eq3A_34, %eq3A_36 : i1
    %convert_element_type3A = arith.extui %and3A : i1 to i32
    %cond3A = arith.constant 0 : i32
    %cond3A_37 = arith.cmpi ne, %convert_element_type3A, %cond3A : i32
    scf.if %cond3A_37 {
      %broadcast_in_dim3A_45 = arith.constant 0.000000e+00 : f32
      %broadcast_in_dim3A_46 = vector.broadcast %broadcast_in_dim3A_45 : f32 to vector<8x128xf32>
      %swap3A_47 = arith.constant 0 : index
      %swap3A_48 = arith.constant 0 : index
      %swap3A_49 = vector.load %arg8[%swap3A_47, %swap3A_48] : memref<8x128xf32, #tpu.memory_space<vmem>>, vector<8x128xf32>
      tpu.vector_store %arg8[%swap3A_47, %swap3A_48], %broadcast_in_dim3A_46 {strides = array<i32>} : memref<8x128xf32, #tpu.memory_space<vmem>>, vector<8x128xf32>,
    } else {
    }
    %get3A_38 = arith.constant 0 : index
    %get3A_39 = arith.constant 0 : index
    %get3A_40 = vector.load %arg8[%get3A_38, %get3A_39] : memref<8x128xf32, #tpu.memory_space<vmem>>, vector<8x128xf32>
    %add3A_41 = arith.addf %get3A_40, %concatenate3A : vector<8x128xf32>
    %swap3A_42 = arith.constant 0 : index
    %swap3A_43 = arith.constant 0 : index
    %swap3A_44 = vector.load %arg8[%swap3A_42, %swap3A_43] : memref<8x128xf32, #tpu.memory_space<vmem>>, vector<8x128xf32>
    tpu.vector_store %arg8[%swap3A_42, %swap3A_43], %add3A_41 {strides = array<i32>} : memref<8x128xf32, #tpu.memory_space<vmem>>, vector<8x128xf32>,
    return
  }
  func.func @transform_0(%arg0: i32, %arg1: i32) -> (i32, i32, i32) {
    %c0_i32 = arith.constant 0 : i32
    %c0_i32_0 = arith.constant 0 : i32
    return %arg0, %c0_i32, %arg1 : i32, i32, i32
  }
  func.func @transform_1(%arg0: i32, %arg1: i32) -> (i32, i32, i32) {
    %c0_i32 = arith.constant 0 : i32
    %c0_i32_0 = arith.constant 0 : i32
    return %arg0, %arg1, %c0_i32 : i32, i32, i32
  }
  func.func @transform_2(%arg0: i32, %arg1: i32) -> (i32, i32) {
    %c0_i32 = arith.constant 0 : i32
    %c0_i32_0 = arith.constant 0 : i32
    %c0_i32_1 = arith.constant 0 : i32
    return %c0_i32, %c0_i32_0 : i32, i32
  }
  func.func @transform_3(%arg0: i32, %arg1: i32) -> (i32, i32) {
    %c0_i32 = arith.constant 0 : i32
    %c0_i32_0 = arith.constant 0 : i32
    %c0_i32_1 = arith.constant 0 : i32
    return %c0_i32, %c0_i32_0 : i32, i32
  }
  func.func @transform_4(%arg0: i32, %arg1: i32) -> (i32, i32) {
    %c0_i32 = arith.constant 0 : i32
    %c0_i32_0 = arith.constant 0 : i32
    %c0_i32_1 = arith.constant 0 : i32
    return %c0_i32, %c0_i32_0 : i32, i32
  }
  func.func @transform_5(%arg0: i32, %arg1: i32) -> (i32, i32, i32) {
    %c0_i32 = arith.constant 0 : i32
    %c0_i32_0 = arith.constant 0 : i32
    return %arg0, %arg1, %c0_i32 : i32, i32, i32
  }
  func.func @transform_6(%arg0: i32, %arg1: i32) -> (i32, i32) {
    %c0_i32 = arith.constant 0 : i32
    %c0_i32_0 = arith.constant 0 : i32
    %c0_i32_1 = arith.constant 0 : i32
    return %c0_i32, %c0_i32_0 : i32, i32
  }
}

module attributes {stable_mosaic.version = 14 : i64} {
  func.func @_k2_body(%arg0: i32, %arg1: i32, %arg2: memref<1x2048x128xf32, #tpu.memory_space<vmem>>, %arg3: memref<8x128xf32, #tpu.memory_space<vmem>>, %arg4: memref<128x128xf32, #tpu.memory_space<vmem>>, %arg5: memref<8x128xf32, #tpu.memory_space<vmem>>, %arg6: memref<1x2048x128xf32, #tpu.memory_space<vmem>>, %arg7: memref<8x128xf32, #tpu.memory_space<vmem>>) attributes {dimension_semantics = [#tpu.dimension_semantics<arbitrary>, #tpu.dimension_semantics<arbitrary>], iteration_bounds = array<i64: 4, 8>, scalar_prefetch = 0 : i64, scratch_operands = 0 : i64, tpu.core_type = #tpu.core_type<tc>, window_params = [{transform_indices = @transform_0, window_bounds = array<i64: 1, 2048, 128>}, {pipeline_mode = #tpu.pipeline_mode<synchronous>, transform_indices = @transform_1, window_bounds = array<i64: 8, 128>}, {pipeline_mode = #tpu.pipeline_mode<synchronous>, transform_indices = @transform_2, window_bounds = array<i64: 128, 128>}, {pipeline_mode = #tpu.pipeline_mode<synchronous>, transform_indices = @transform_3, window_bounds = array<i64: 8, 128>}, {transform_indices = @transform_4, window_bounds = array<i64: 1, 2048, 128>}, {pipeline_mode = #tpu.pipeline_mode<synchronous>, transform_indices = @transform_5, window_bounds = array<i64: 8, 128>}]} {
    %get3A = arith.constant 0 : index
    %get3A_0 = arith.constant 0 : index
    %get3A_1 = vector.load %arg3[%get3A, %get3A_0] : memref<8x128xf32, #tpu.memory_space<vmem>>, vector<1x128xf32>
    %div3A = arith.constant 6.553600e+04 : f32
    %div3A_2 = vector.broadcast %div3A : f32 to vector<1x128xf32>
    %div3A_3 = arith.divf %get3A_1, %div3A_2 : vector<1x128xf32>
    %get3A_4 = arith.constant 1 : index
    %get3A_5 = arith.constant 0 : index
    %get3A_6 = vector.load %arg3[%get3A_4, %get3A_5] : memref<8x128xf32, #tpu.memory_space<vmem>>, vector<1x128xf32>
    %div3A_7 = arith.constant 6.553600e+04 : f32
    %div3A_8 = vector.broadcast %div3A_7 : f32 to vector<1x128xf32>
    %div3A_9 = arith.divf %get3A_6, %div3A_8 : vector<1x128xf32>
    %mul3A = arith.mulf %div3A_3, %div3A_3 : vector<1x128xf32>
    %sub3A = arith.subf %div3A_9, %mul3A : vector<1x128xf32>
    %add3A = arith.constant 9.99999974E-6 : f32
    %add3A_10 = vector.broadcast %add3A : f32 to vector<1x128xf32>
    %add3A_11 = arith.addf %sub3A, %add3A_10 : vector<1x128xf32>
    %sqrt3A = math.sqrt %add3A_11 : vector<1x128xf32>
    %div3A_12 = arith.constant 1.000000e+00 : f32
    %div3A_13 = vector.broadcast %div3A_12 : f32 to vector<1x128xf32>
    %div3A_14 = arith.divf %div3A_13, %sqrt3A : vector<1x128xf32>
    %get3A_15 = arith.constant 0 : index
    %get3A_16 = arith.constant 0 : index
    %get3A_17 = vector.load %arg5[%get3A_15, %get3A_16] : memref<8x128xf32, #tpu.memory_space<vmem>>, vector<1x128xf32>
    %get3A_18 = arith.constant 1 : index
    %get3A_19 = arith.constant 0 : index
    %get3A_20 = vector.load %arg5[%get3A_18, %get3A_19] : memref<8x128xf32, #tpu.memory_space<vmem>>, vector<1x128xf32>
    %get3A_21 = arith.constant 2 : index
    %get3A_22 = arith.constant 0 : index
    %get3A_23 = vector.load %arg5[%get3A_21, %get3A_22] : memref<8x128xf32, #tpu.memory_space<vmem>>, vector<1x128xf32>
    %get3A_24 = arith.constant 0 : index
    %get3A_25 = arith.constant 0 : index
    %get3A_26 = arith.constant 0 : index
    %get3A_27 = vector.load %arg2[%get3A_24, %get3A_25, %get3A_26] : memref<1x2048x128xf32, #tpu.memory_space<vmem>>, vector<1x2048x128xf32>
    %get3A_28 = vector.shape_cast %get3A_27 : vector<1x2048x128xf32> to vector<2048x128xf32>
    %sub3A_29 = vector.broadcast %div3A_3 : vector<1x128xf32> to vector<2048x128xf32>
    %sub3A_30 = arith.subf %get3A_28, %sub3A_29 : vector<2048x128xf32>
    %mul3A_31 = vector.broadcast %div3A_14 : vector<1x128xf32> to vector<2048x128xf32>
    %mul3A_32 = arith.mulf %sub3A_30, %mul3A_31 : vector<2048x128xf32>
    %mul3A_33 = vector.broadcast %get3A_17 : vector<1x128xf32> to vector<2048x128xf32>
    %mul3A_34 = arith.mulf %mul3A_32, %mul3A_33 : vector<2048x128xf32>
    %add3A_35 = vector.broadcast %get3A_20 : vector<1x128xf32> to vector<2048x128xf32>
    %add3A_36 = arith.addf %mul3A_34, %add3A_35 : vector<2048x128xf32>
    %max3A = arith.constant 0.000000e+00 : f32
    %max3A_37 = vector.broadcast %max3A : f32 to vector<2048x128xf32>
    %max3A_38 = arith.maximumf %add3A_36, %max3A_37 : vector<2048x128xf32>
    %get3A_39 = arith.constant 0 : index
    %get3A_40 = arith.constant 0 : index
    %get3A_41 = vector.load %arg4[%get3A_39, %get3A_40] : memref<128x128xf32, #tpu.memory_space<vmem>>, vector<128x128xf32>
    %dot_general3A = arith.constant dense<0.000000e+00> : vector<2048x128xf32>
    %dot_general3A_42 = tpu.matmul %max3A_38, %get3A_41, %dot_general3A {dimension_numbers = #tpu.dot_dimension_numbers<[1], [0], [0], [1], [0, 0, 1, 1], [], []>, transpose_lhs_hint = false} : vector<2048x128xf32>, vector<128x128xf32>, vector<2048x128xf32> -> vector<2048x128xf32>
    %add3A_43 = vector.broadcast %get3A_23 : vector<1x128xf32> to vector<2048x128xf32>
    %add3A_44 = arith.addf %dot_general3A_42, %add3A_43 : vector<2048x128xf32>
    %swap3A = arith.constant 0 : index
    %swap3A_45 = arith.constant 0 : index
    %swap3A_46 = arith.constant 0 : index
    %swap3A_47 = vector.load %arg6[%swap3A, %swap3A_45, %swap3A_46] : memref<1x2048x128xf32, #tpu.memory_space<vmem>>, vector<1x2048x128xf32>
    %swap3A_48 = vector.shape_cast %swap3A_47 : vector<1x2048x128xf32> to vector<2048x128xf32>
    %swap3A_49 = vector.shape_cast %add3A_44 : vector<2048x128xf32> to vector<1x2048x128xf32>
    tpu.vector_store %arg6[%swap3A, %swap3A_45, %swap3A_46], %swap3A_49 {strides = array<i32>} : memref<1x2048x128xf32, #tpu.memory_space<vmem>>, vector<1x2048x128xf32>,
    %reduce_sum3A = arith.constant dense<0.000000e+00> : vector<128xf32>
    %reduce_sum3A_50 = vector.multi_reduction <add>, %add3A_44, %reduce_sum3A [0] : vector<2048x128xf32> to vector<128xf32>
    %broadcast_in_dim3A = vector.shape_cast %reduce_sum3A_50 : vector<128xf32> to vector<1x128xf32>
    %mul3A_51 = arith.mulf %add3A_44, %add3A_44 : vector<2048x128xf32>
    %reduce_sum3A_52 = arith.constant dense<0.000000e+00> : vector<128xf32>
    %reduce_sum3A_53 = vector.multi_reduction <add>, %mul3A_51, %reduce_sum3A_52 [0] : vector<2048x128xf32> to vector<128xf32>
    %broadcast_in_dim3A_54 = vector.shape_cast %reduce_sum3A_53 : vector<128xf32> to vector<1x128xf32>
    %broadcast_in_dim3A_55 = arith.constant 0.000000e+00 : f32
    %broadcast_in_dim3A_56 = vector.broadcast %broadcast_in_dim3A_55 : f32 to vector<6x128xf32>
    %concatenate3A = tpu.concatenate %broadcast_in_dim3A, %broadcast_in_dim3A_54, %broadcast_in_dim3A_56 in 0 : vector<1x128xf32>, vector<1x128xf32>, vector<6x128xf32> -> vector<8x128xf32>
    %eq3A = arith.constant 0 : i32
    %eq3A_57 = arith.cmpi eq, %arg0, %eq3A : i32
    %eq3A_58 = arith.constant 0 : i32
    %eq3A_59 = arith.cmpi eq, %arg1, %eq3A_58 : i32
    %and3A = arith.andi %eq3A_57, %eq3A_59 : i1
    %convert_element_type3A = arith.extui %and3A : i1 to i32
    %cond3A = arith.constant 0 : i32
    %cond3A_60 = arith.cmpi ne, %convert_element_type3A, %cond3A : i32
    scf.if %cond3A_60 {
      %broadcast_in_dim3A_68 = arith.constant 0.000000e+00 : f32
      %broadcast_in_dim3A_69 = vector.broadcast %broadcast_in_dim3A_68 : f32 to vector<8x128xf32>
      %swap3A_70 = arith.constant 0 : index
      %swap3A_71 = arith.constant 0 : index
      %swap3A_72 = vector.load %arg7[%swap3A_70, %swap3A_71] : memref<8x128xf32, #tpu.memory_space<vmem>>, vector<8x128xf32>
      tpu.vector_store %arg7[%swap3A_70, %swap3A_71], %broadcast_in_dim3A_69 {strides = array<i32>} : memref<8x128xf32, #tpu.memory_space<vmem>>, vector<8x128xf32>,
    } else {
    }
    %get3A_61 = arith.constant 0 : index
    %get3A_62 = arith.constant 0 : index
    %get3A_63 = vector.load %arg7[%get3A_61, %get3A_62] : memref<8x128xf32, #tpu.memory_space<vmem>>, vector<8x128xf32>
    %add3A_64 = arith.addf %get3A_63, %concatenate3A : vector<8x128xf32>
    %swap3A_65 = arith.constant 0 : index
    %swap3A_66 = arith.constant 0 : index
    %swap3A_67 = vector.load %arg7[%swap3A_65, %swap3A_66] : memref<8x128xf32, #tpu.memory_space<vmem>>, vector<8x128xf32>
    tpu.vector_store %arg7[%swap3A_65, %swap3A_66], %add3A_64 {strides = array<i32>} : memref<8x128xf32, #tpu.memory_space<vmem>>, vector<8x128xf32>,
    return
  }
  func.func @transform_0(%arg0: i32, %arg1: i32) -> (i32, i32, i32) {
    %c0_i32 = arith.constant 0 : i32
    %c0_i32_0 = arith.constant 0 : i32
    return %arg0, %arg1, %c0_i32 : i32, i32, i32
  }
  func.func @transform_1(%arg0: i32, %arg1: i32) -> (i32, i32) {
    %c0_i32 = arith.constant 0 : i32
    %c0_i32_0 = arith.constant 0 : i32
    %c0_i32_1 = arith.constant 0 : i32
    return %c0_i32, %c0_i32_0 : i32, i32
  }
  func.func @transform_2(%arg0: i32, %arg1: i32) -> (i32, i32) {
    %c0_i32 = arith.constant 0 : i32
    %c0_i32_0 = arith.constant 0 : i32
    %c0_i32_1 = arith.constant 0 : i32
    return %c0_i32, %c0_i32_0 : i32, i32
  }
  func.func @transform_3(%arg0: i32, %arg1: i32) -> (i32, i32) {
    %c0_i32 = arith.constant 0 : i32
    %c0_i32_0 = arith.constant 0 : i32
    %c0_i32_1 = arith.constant 0 : i32
    return %c0_i32, %c0_i32_0 : i32, i32
  }
  func.func @transform_4(%arg0: i32, %arg1: i32) -> (i32, i32, i32) {
    %c0_i32 = arith.constant 0 : i32
    %c0_i32_0 = arith.constant 0 : i32
    return %arg0, %arg1, %c0_i32 : i32, i32, i32
  }
  func.func @transform_5(%arg0: i32, %arg1: i32) -> (i32, i32) {
    %c0_i32 = arith.constant 0 : i32
    %c0_i32_0 = arith.constant 0 : i32
    %c0_i32_1 = arith.constant 0 : i32
    return %c0_i32, %c0_i32_0 : i32, i32
  }
}

module attributes {stable_mosaic.version = 14 : i64} {
  func.func @_k3_body(%arg0: i32, %arg1: i32, %arg2: memref<1x2048x128xf32, #tpu.memory_space<vmem>>, %arg3: memref<8x128xf32, #tpu.memory_space<vmem>>, %arg4: memref<8x128xf32, #tpu.memory_space<vmem>>, %arg5: memref<1x128x2048xf32, #tpu.memory_space<vmem>>) attributes {dimension_semantics = [#tpu.dimension_semantics<arbitrary>, #tpu.dimension_semantics<arbitrary>], iteration_bounds = array<i64: 4, 8>, scalar_prefetch = 0 : i64, scratch_operands = 0 : i64, tpu.core_type = #tpu.core_type<tc>, window_params = [{transform_indices = @transform_0, window_bounds = array<i64: 1, 2048, 128>}, {pipeline_mode = #tpu.pipeline_mode<synchronous>, transform_indices = @transform_1, window_bounds = array<i64: 8, 128>}, {pipeline_mode = #tpu.pipeline_mode<synchronous>, transform_indices = @transform_2, window_bounds = array<i64: 8, 128>}, {transform_indices = @transform_3, window_bounds = array<i64: 1, 128, 2048>}]} {
    %get3A = arith.constant 0 : index
    %get3A_0 = arith.constant 0 : index
    %get3A_1 = vector.load %arg3[%get3A, %get3A_0] : memref<8x128xf32, #tpu.memory_space<vmem>>, vector<1x128xf32>
    %div3A = arith.constant 6.553600e+04 : f32
    %div3A_2 = vector.broadcast %div3A : f32 to vector<1x128xf32>
    %div3A_3 = arith.divf %get3A_1, %div3A_2 : vector<1x128xf32>
    %get3A_4 = arith.constant 1 : index
    %get3A_5 = arith.constant 0 : index
    %get3A_6 = vector.load %arg3[%get3A_4, %get3A_5] : memref<8x128xf32, #tpu.memory_space<vmem>>, vector<1x128xf32>
    %div3A_7 = arith.constant 6.553600e+04 : f32
    %div3A_8 = vector.broadcast %div3A_7 : f32 to vector<1x128xf32>
    %div3A_9 = arith.divf %get3A_6, %div3A_8 : vector<1x128xf32>
    %mul3A = arith.mulf %div3A_3, %div3A_3 : vector<1x128xf32>
    %sub3A = arith.subf %div3A_9, %mul3A : vector<1x128xf32>
    %add3A = arith.constant 9.99999974E-6 : f32
    %add3A_10 = vector.broadcast %add3A : f32 to vector<1x128xf32>
    %add3A_11 = arith.addf %sub3A, %add3A_10 : vector<1x128xf32>
    %sqrt3A = math.sqrt %add3A_11 : vector<1x128xf32>
    %div3A_12 = arith.constant 1.000000e+00 : f32
    %div3A_13 = vector.broadcast %div3A_12 : f32 to vector<1x128xf32>
    %div3A_14 = arith.divf %div3A_13, %sqrt3A : vector<1x128xf32>
    %get3A_15 = arith.constant 0 : index
    %get3A_16 = arith.constant 0 : index
    %get3A_17 = vector.load %arg4[%get3A_15, %get3A_16] : memref<8x128xf32, #tpu.memory_space<vmem>>, vector<1x128xf32>
    %get3A_18 = arith.constant 1 : index
    %get3A_19 = arith.constant 0 : index
    %get3A_20 = vector.load %arg4[%get3A_18, %get3A_19] : memref<8x128xf32, #tpu.memory_space<vmem>>, vector<1x128xf32>
    %get3A_21 = arith.constant 0 : index
    %get3A_22 = arith.constant 0 : index
    %get3A_23 = arith.constant 0 : index
    %get3A_24 = vector.load %arg2[%get3A_21, %get3A_22, %get3A_23] : memref<1x2048x128xf32, #tpu.memory_space<vmem>>, vector<1x2048x128xf32>
    %get3A_25 = vector.shape_cast %get3A_24 : vector<1x2048x128xf32> to vector<2048x128xf32>
    %sub3A_26 = vector.broadcast %div3A_3 : vector<1x128xf32> to vector<2048x128xf32>
    %sub3A_27 = arith.subf %get3A_25, %sub3A_26 : vector<2048x128xf32>
    %mul3A_28 = vector.broadcast %div3A_14 : vector<1x128xf32> to vector<2048x128xf32>
    %mul3A_29 = arith.mulf %sub3A_27, %mul3A_28 : vector<2048x128xf32>
    %mul3A_30 = vector.broadcast %get3A_17 : vector<1x128xf32> to vector<2048x128xf32>
    %mul3A_31 = arith.mulf %mul3A_29, %mul3A_30 : vector<2048x128xf32>
    %add3A_32 = vector.broadcast %get3A_20 : vector<1x128xf32> to vector<2048x128xf32>
    %add3A_33 = arith.addf %mul3A_31, %add3A_32 : vector<2048x128xf32>
    %max3A = arith.constant 0.000000e+00 : f32
    %max3A_34 = vector.broadcast %max3A : f32 to vector<2048x128xf32>
    %max3A_35 = arith.maximumf %add3A_33, %max3A_34 : vector<2048x128xf32>
    %transpose3A = tpu.transpose %max3A_35, [1, 0] : vector<2048x128xf32> -> vector<128x2048xf32>
    %swap3A = arith.constant 0 : index
    %swap3A_36 = arith.constant 0 : index
    %swap3A_37 = arith.constant 0 : index
    %swap3A_38 = vector.load %arg5[%swap3A, %swap3A_36, %swap3A_37] : memref<1x128x2048xf32, #tpu.memory_space<vmem>>, vector<1x128x2048xf32>
    %swap3A_39 = vector.shape_cast %swap3A_38 : vector<1x128x2048xf32> to vector<128x2048xf32>
    %swap3A_40 = vector.shape_cast %transpose3A : vector<128x2048xf32> to vector<1x128x2048xf32>
    tpu.vector_store %arg5[%swap3A, %swap3A_36, %swap3A_37], %swap3A_40 {strides = array<i32>} : memref<1x128x2048xf32, #tpu.memory_space<vmem>>, vector<1x128x2048xf32>,
    return
  }
  func.func @transform_0(%arg0: i32, %arg1: i32) -> (i32, i32, i32) {
    %c0_i32 = arith.constant 0 : i32
    %c0_i32_0 = arith.constant 0 : i32
    return %arg0, %arg1, %c0_i32 : i32, i32, i32
  }
  func.func @transform_1(%arg0: i32, %arg1: i32) -> (i32, i32) {
    %c0_i32 = arith.constant 0 : i32
    %c0_i32_0 = arith.constant 0 : i32
    %c0_i32_1 = arith.constant 0 : i32
    return %c0_i32, %c0_i32_0 : i32, i32
  }
  func.func @transform_2(%arg0: i32, %arg1: i32) -> (i32, i32) {
    %c0_i32 = arith.constant 0 : i32
    %c0_i32_0 = arith.constant 0 : i32
    %c0_i32_1 = arith.constant 0 : i32
    return %c0_i32, %c0_i32_0 : i32, i32
  }
  func.func @transform_3(%arg0: i32, %arg1: i32) -> (i32, i32, i32) {
    %c0_i32 = arith.constant 0 : i32
    %c0_i32_0 = arith.constant 0 : i32
    return %arg0, %c0_i32, %arg1 : i32, i32, i32
  }
}

</mosaic_0001>

<sc_bundles>
// kernel: kernel.7.cloned.1.call-start
scs
__scs_entry_jumppad:
0x0: {  	(pc) =	sbr.rel $0x88, $3  }
0x1: {  	(tag) =	ssettag $0x0;
	lr =	simm.s32 $0x1  }
0x2: {  	[smem:$0x3F95] =	sst lr;
	_ =	strace $0xD0000000  }
0x3: {  	_ = 	snop  }
0x4: {  	_ = 	snop  }
0x5: {  	_ = 	snop  }
0x6: {  	_ = 	snop  }
0x7: {  	_ = 	snop  }
__scs_overlays_trampoline_lowered:
0x8: {  	[smem:$0x3FA4] =	sst s0  }
0x9: {  	[smem:$0x3FA5] =	sst s1  }
0xa: {  	[smem:$0x3FA6] =	sst s2  }
0xb: {  	[smem:$0x3FA7] =	sst s3  }
0xc: {  	[smem:$0x3FA8] =	sst s4  }
0xd: {  	[smem:$0x3FA9] =	sst s5  }
0xe: {  	[smem:$0x3FAA] =	sst s6  }
0xf: {  	[smem:$0x3FAB] =	sst s7  }
0x10: {  	[smem:$0x3FAC] =	sst s8  }
0x11: {  	[smem:$0x3FAD] =	sst s9;
	s0 =	simm.s32 @!p0 $0x0  }
0x12: {  	s1 =	sld [smem:$0x3F93];
	s0 =	simm.s32 @p0 $0x1  }
0x13: {  	[smem:$0x3FAE] =	sst s0;
	s0 =	simm.s32 @!p1 $0x0  }
0x14: {  	s2 =	sld [smem:$0x3F92];
	s0 =	simm.s32 @p1 $0x1  }
0x15: {  	[smem:$0x3FAF] =	sst s0;
	s0 =	simm.s32 @!p2 $0x0  }
0x16: {  	s3 =	sld [smem:$0x3FDB];
	s0 =	simm.s32 @p2 $0x1  }
0x17: {  	s4 =	simm.s32 $0x1BF5;
	[smem:$0x3FB1] =	sst s0  }
0x18: {  	s0 =	sld [smem:$0x3F94];
	_ =	swait.ge [sflag:s4], $0x0  }
0x19: {  	s7 =	sld [smem:$0x3F95]  }
0x1a: {  	s8 =	sadd.s32 $0xFFFFE003, lr  }
0x1b: {  	s9 =	sadd.s32 $0xFFFFFEF7, lr;
	s5 =	simm.s32 $0xFFFFFFFF;
	p2 =	slt.u32 s8, $0xFFFFF086  }
0x1c: {  	p1 =	slt.u32 s9, $0xF7A;
	s5 =	simm.s32 @!p2 $0x0  }
0x1d: {  	s5 =	simm.s32 @p1 $0x1;
	p0 =	seq.s32 s7, s2  }
0x1e: {  	s7 =	smul.u32 @!p0 $0xF7A, s2;
	p2 =	seq.s32 @!p0 s5, $0x0  }
0x1f: {  	s9 =	smul.u32 $0xF7A, s1;
	s8 =	simm.s32 @!p0 $0x1BF5;
	p2 =	por !p2, p0  }
0x20: {  	[sflag:s8] =	ssyncset.s32 @!p0 $0xFFFFF086;
	s6 =	sadd.s32 @!p0 s3, s7;
	s7 =	simm.s32 @!p0 $0x108  }
0x21: {  	s3 =	sadd.s32 s3, s9;
	s6 =	sadd.s32 @!p0 $0x88, s6;
	s7 =	simm.s32 @p2 $0x1082  }
0x22: {  	[simem:s7], [sflag:s8] =	dma.local @!p0 [hbm:s6], $0xF7A  }
0x23: {  	s9 =	sor.u32 $0xD0000000, s2;
	s6 =	simm.s32 $0x108;
	_ =	swait.ge @!p0 [sflag:s8], $0x0  }
0x24: {  	s3 =	sadd.s32 $0x88, s3;
	s6 =	simm.s32 @!p1 $0x1082;
	[sflag:s4] =	ssyncset.s32 $0xFFFFF086  }
0x25: {  	[simem:s6], [sflag:s4] =	dma.local [hbm:s3], $0xF7A  }
0x26: {  	[smem:$0x3F95] =	sst s1;
	(tag) =	ssettag s2;
	_ =	strace s9  }
0x27: {  	s1 =	sld [smem:$0x3FA5]  }
0x28: {  	s2 =	sld [smem:$0x3FA6]  }
0x29: {  	s4 =	sld [smem:$0x3FA8]  }
0x2a: {  	p0 =	seq.s32 s5, $0x0;
	s5 =	sld [smem:$0x3FA9]  }
0x2b: {  	s6 =	sld [smem:$0x3FAA]  }
0x2c: {  	s7 =	sld [smem:$0x3FAB]  }
0x2d: {  	s3 =	simm.s32 $0x108;
	s8 =	sld [smem:$0x3FAC]  }
0x2e: {  	s3 =	simm.s32 @!p0 $0x1082;
	s9 =	sld [smem:$0x3FAD]  }
0x2f: {  	lr =	sadd.s32 s0, s3;
	s0 =	sld [smem:$0x3FA4]  }
0x30: {  	s3 =	sld [smem:$0x3FA7]  }
0x31: {  	[smem:$0x3FB0] =	sst s10  }
0x32: {  	s10 =	sld [smem:$0x3FAE];
	_ =	sdelay $0x3  }
0x33: {  	p0 =	seq.s32 s10, $0x1;
	s10 =	sld [smem:$0x3FB0];
	_ =	sdelay $0x3  }
0x34: {  	[smem:$0x3FB0] =	sst s10  }
0x35: {  	s10 =	sld [smem:$0x3FAF];
	_ =	sdelay $0x3  }
0x36: {  	p1 =	seq.s32 s10, $0x1;
	s10 =	sld [smem:$0x3FB0];
	_ =	sdelay $0x3  }
0x37: {  	[smem:$0x3FB0] =	sst s10  }
0x38: {  	s10 =	sld [smem:$0x3FB1]  }
0x39: {  	_ = 	snop;
	(pc) =	sbr.ind lr, $3  }
0x3a: {  	_ = 	snop  }
0x3b: {  	_ = 	snop  }
0x3c: {  	p2 =	seq.s32 s10, $0x1;
	s10 =	sld [smem:$0x3FB0]  }
0x3d: {  	_ =	shalt  }
0x3e: {  	_ =	shalt  }
0x3f: {  	_ =	shalt  }
0x40: {  	_ =	shalt  }
0x41: {  	_ =	shalt  }
0x42: {  	_ =	shalt  }
0x43: {  	_ =	shalt  }
0x44: {  	_ =	shalt  }
0x45: {  	_ =	shalt  }
0x46: {  	_ =	shalt  }
0x47: {  	_ =	shalt  }
0x48: {  	_ =	shalt  }
0x49: {  	_ =	shalt  }
0x4a: {  	_ =	shalt  }
0x4b: {  	_ =	shalt  }
0x4c: {  	_ =	shalt  }
0x4d: {  	_ =	shalt  }
0x4e: {  	_ =	shalt  }
0x4f: {  	_ =	shalt  }
0x50: {  	_ =	shalt  }
0x51: {  	_ =	shalt  }
0x52: {  	_ =	shalt  }
0x53: {  	_ =	shalt  }
0x54: {  	_ =	shalt  }
0x55: {  	_ =	shalt  }
0x56: {  	_ =	shalt  }
0x57: {  	_ =	shalt  }
0x58: {  	_ =	shalt  }
0x59: {  	_ =	shalt  }
0x5a: {  	_ =	shalt  }
0x5b: {  	_ =	shalt  }
0x5c: {  	_ =	shalt  }
0x5d: {  	_ =	shalt  }
0x5e: {  	_ =	shalt  }
0x5f: {  	_ =	shalt  }
0x60: {  	_ =	shalt  }
0x61: {  	_ =	shalt  }
0x62: {  	_ =	shalt  }
0x63: {  	_ =	shalt  }
0x64: {  	_ =	shalt  }
0x65: {  	_ =	shalt  }
0x66: {  	_ =	shalt  }
0x67: {  	_ =	shalt  }
0x68: {  	_ =	shalt  }
0x69: {  	_ =	shalt  }
0x6a: {  	_ =	shalt  }
0x6b: {  	_ =	shalt  }
0x6c: {  	_ =	shalt  }
0x6d: {  	_ =	shalt  }
0x6e: {  	_ =	shalt  }
0x6f: {  	_ =	shalt  }
0x70: {  	_ =	shalt  }
0x71: {  	_ =	shalt  }
0x72: {  	_ =	shalt  }
0x73: {  	_ =	shalt  }
0x74: {  	_ =	shalt  }
0x75: {  	_ =	shalt  }
0x76: {  	_ =	shalt  }
0x77: {  	_ =	shalt  }
0x78: {  	_ =	shalt  }
0x79: {  	_ =	shalt  }
0x7a: {  	_ =	shalt  }
0x7b: {  	_ =	shalt  }
0x7c: {  	_ =	shalt  }
0x7d: {  	_ =	shalt  }
0x7e: {  	_ =	shalt  }
0x7f: {  	_ =	shalt  }
0x80: {  	_ =	shalt  }
0x81: {  	_ =	shalt  }
0x82: {  	_ =	shalt  }
0x83: {  	_ =	shalt  }
0x84: {  	_ =	shalt  }
0x85: {  	_ =	shalt  }
0x86: {  	_ =	shalt  }
0x87: {  	_ =	shalt  }
.Lfunc_end0:
.L_simem_size_0:
called_computation_lowered:
.L_overlay_start_0:
0x88: {  	s2 =	sld [smem:$0x3FD9]  }
0x89: {  	s3 =	sld [smem:$0x3FFE];
	_ =	sdelay $0x1  }
0x8a: {  	s1 =	srdreg.scid  }
0x8b: {  	s0 =	sand.u32 $0x1, s1  }
0x8c: {  	s17 =	sshll.u32 s0, $0xA;
	s2 =	sadd.s32 s3, s2  }
0x8d: {  	s2 =	sadd.s32 s2, s17  }
0x8e: {  	[smem:$0x3FBC] =	sst s2  }
0x8f: {  	_ = 	snop  }
0x90: {  	s2 =	sld [smem:$0x3FD0];
	(tm) =	ssettm $0x1  }
0x91: {  	s18 =	sld [smem:$0x3FFB];
	_ =	sdelay $0x3  }
0x92: {  	_ =	strace s18  }
0x93: {  	s3 =	sld [smem:$0x3FFC];
	_ =	sdelay $0x3  }
0x94: {  	_ =	strace s3  }
0x95: {  	s3 =	sld [smem:$0x3FFD];
	_ =	sdelay $0x3  }
0x96: {  	_ =	strace s3  }
0x97: {  	_ =	strace $0x8FFFFFFF  }
0x98: {  	s19 =	sld [smem:$0x3FDB];
	_ =	sdelay $0x1  }
0x99: {  	s4 =	simm.s32 $_scs_section_size  }
0x9a: {  	s5 =	simm.s32 $_size__tile_overlayer_lowered;
	s6 =	simm.s32 $_tile_overlayer_lowered  }
0x9b: {  	s22 =	simm.s32 $0x1BFF;
	s21 =	sshll.u32 s6, $0x1;
	s3 =	sadd.s32 s4, s19  }
0x9c: {  	s7 =	simm.s32 $0x0;
	s20 =	sshll.u32 s5, $0x1;
	s5 =	sadd.s32 s21, s3  }
0x9d: {  	[timem:s7], [sflag:s22] =	dma.local [hbm:s5], s20  }
0x9e: {  	_ =	swait.ge [sflag:s22], s20  }
0x9f: {  	s4 =	ssub.s32 $0x0, s20;
	[sflag:s22] =	ssyncset.done $0x0  }
0xa0: {  	[sflag:s22] =	ssyncadd.s32 s4;
	_ =	sdelay $0x1  }
0xa1: {  	s23 =	simm.s32 $0x1B8B  }
0xa2: {  	_ =	swait.ge [sflag:s23], $0x1  }
0xa3: {  	[sflag:s23] =	ssyncset.done $0x0  }
0xa4: {  	s25 =	simm.s32 $0x1B8E;
	s24 =	sld [smem:$0x3FFE];
	[sflag:s23] =	ssyncadd.s32 $0xFFFFFFFF  }
0xa5: {  	s26 =	simm.s32 $execute0_lowered;
	[smem:$0x3FD2] =	sst s25  }
0xa6: {  	s5 =	sshll.u32 s26, $0x1;
	_ =	strace $0x80000046;
	[dreg:$0x1] =	wrdreg $0xFFFFFFFF  }
0xa7: {  	s28 =	simm.s32 $_size_execute0_lowered;
	s3 =	sadd.s32 s3, s5;
	[dreg:$0x0] =	wrdreg $0x0  }
0xa8: {  	s5 =	sshll.u32 s28, $0x1;
	[dreg:$0x2] =	wrdreg s3  }
0xa9: {  	[dreg:$0x3] =	wrdreg s5  }
0xaa: {  	[dreg:$0x4] =	wrdreg $0xC0  }
0xab: {  	_ =	task [dreg:s7], $0x5FFFF  }
0xac: {  	[dreg:$0x1] =	wrdreg $0xFFFFFFFF  }
0xad: {  	[dreg:$0x0] =	wrdreg $0x60  }
0xae: {  	[dreg:$0x2] =	wrdreg s24  }
0xaf: {  	[dreg:$0x3] =	wrdreg s2  }
0xb0: {  	[dreg:$0x4] =	wrdreg $0x9  }
0xb1: {  	_ =	task.clear_ibuf [dreg:s7], $0x5FFFF;
	_ =	strace $0x90000046  }
0xb2: {  	s29 =	simm.s32 $0x9;
	_ =	strace $0x80000048  }
0xb3: {  	_ =	swait.ge [sflag:s29], $0x1  }
0xb4: {  	[sflag:s29] =	ssyncadd.s32 $0xFFFFFFFF  }
0xb5: {  	_ =	strace $0x90000048  }
0xb6: {  	_ =	sfence  }
0xb7: {  	s30 =	sld [smem:$0x0];
	_ =	sdelay $0x2  }
0xb8: {  	s31 =	sshll.u32 s1, $0xD;
	s1 =	sshrl.u32 s1, $0x2  }
0xb9: {  	s3 =	sand.u32 $0x4000, s31;
	s1 =	sadd.s32 s1, s30  }
0xba: {  	s0 =	sor.u32 s3, s0;
	s1 =	sshll.u32 s1, $0x11  }
0xbb: {  	s0 =	sor.u32 s1, s0  }
0xbc: {  	s0 =	sadd.s32 $0x8F2B, s0  }
0xbd: {  	[sflag:s0] =	ssyncadd.remote.s32 $0x1  }
0xbe: {  	_ =	sfence.sel $0xFFFF  }
0xbf: {  	[dreg:$0x0] =	wrdreg $0xFFFFFFFF;
	(pc) =	sbr.abs _section_cstart, $3  }
0xc0: {  	[dreg:$0x1] =	wrdreg $0xFFFFFFFF  }
0xc1: {  	_ =	task.clear_ibuf [dreg:s7], $0x2FFFF;
	_ =	strace $0x9FFFFFFF  }
0xc2: {  	(tm) =	ssettm $0x7FFFFFFF  }
0xc3: {  	_ =	shalt  }
tec
execute0_lowered:
.L_overlay_start_1:
0x0: {  	(tag) =	ssettag $0x1  }
0x1: {  	s3 =	rddreg [dreg:$0x0]  }
0x2: {  	s1 =	rddreg [dreg:$0x1]  }
0x3: {  	s0 =	rddreg [dreg:$0x2];
	s2 =	simm.s32 $0x0  }
0x4: {  	s6 =	srdreg.scid;
	s12 =	simm.s32 $0x80;
	s13 =	simm.s32 $0x100  }
0x5: {  	s14 =	simm.s32 $0x180;
	s15 =	simm.s32 $0x4180;
	s16 =	simm.s32 $0x1  }
0x6: {  	s17 =	simm.s32 $0x8180;
	s18 =	simm.s32 $0xC180;
	s19 =	simm.s32 $0x10180  }
0x7: {  	s20 =	simm.s32 $0x0;
	[smem:$0x7FF] =	sst s2;
	s4 =	sadd.s32 $0x3000, s3  }
0x8: {  	s5 =	sadd.s32 $0x13000, s3;
	s7 =	sand.u32 $0x1, s6;
	s6 =	sadd.s32 $0x113000, s3  }
0x9: {  	s3 =	stileid.u32;
	_ =	strace $0x80000047;
	s8 =	ssub.s32 $0x2, s7  }
0xa: {  	s10 =	sshll.u32 s3, $0xC;
	s7 =	sshll.u32 s7, $0xB;
	s9 =	sshrl.u32 s8, $0x1  }
0xb: {  	s7 =	sor.u32 s7, s10;
	s11 =	ssub.s32 s8, s9;
	s8 =	sadd.s32 $0x10, s1  }
0xc: {  	s9 =	sadd.s32 $0x20, s1;
	s10 =	smax.u32 s11, $0x1;
	s11 =	simm.s32 $0x2  }
.LBB2_1:
0xd: {  	s21 =	simm.s32 $0x0  }
.LBB2_2:
0xe: {  	s22 =	sshll.u32 s21, $0x7  }
0xf: {  	s22 =	sadd.s32 s7, s22  }
0x10: {  	s24 =	simm.s32 $0x0;
	s23 =	sadd.s32 s1, s22  }
0x11: {  	[tilespmem:s24], [sflag:$0x2] =	stream.linear.gather [hbm4b:s23+s24], $0x80, $0x38;
	[tilespmem:$0x14180] =	vst v63  }
0x12: {  	_ =	swait.ge [sflag:s11], $0x80  }
0x13: {  	[sflag:s11] =	ssyncset.done $0x0  }
0x14: {  	s29 =	sadd.s32 s22, s8;
	[sflag:s11] =	ssyncadd.s32 $0xFFFFFF80  }
0x15: {  	[tilespmem:s12], [sflag:$0x2] =	stream.linear.gather [hbm4b:s29+s24], $0x80, $0x38;
	[tilespmem:$0x14180] =	vst v63  }
0x16: {  	_ =	swait.ge [sflag:s11], $0x80  }
0x17: {  	[sflag:s11] =	ssyncset.done $0x0  }
0x18: {  	s30 =	sadd.s32 s22, s9;
	[sflag:s11] =	ssyncadd.s32 $0xFFFFFF80  }
0x19: {  	[tilespmem:s13], [sflag:$0x2] =	stream.linear.gather [hbm4b:s30+s24], $0x80, $0x38;
	[tilespmem:$0x14180] =	vst v63  }
0x1a: {  	_ =	swait.ge [sflag:s11], $0x80  }
0x1b: {  	s22 =	sshll.u32 s22, $0x4;
	[sflag:s11] =	ssyncset.done $0x0  }
0x1c: {  	s31 =	sadd.s32 s5, s22;
	[sflag:s11] =	ssyncadd.s32 $0xFFFFFF80  }
0x1d: {  	[tilespmem:s14], [sflag:$0x2] =	stream.linear.gather [hbm4b:s31+s24], $0x4000, $0x38;
	[tilespmem:$0x14180] =	vst v63  }
0x1e: {  	_ =	swait.ge [sflag:s11], $0x4000  }
0x1f: {  	[sflag:s11] =	ssyncset.done $0x0  }
0x20: {  	[sflag:s11] =	ssyncadd.s32 $0xFFFFC000  }
0x21: {  	[tilespmem:s15], [sflag:$0x1] =	stream.indirect.gather [hbm4b:s4+s12], $0x80, s24, s12, $0xb8;
	[tilespmem:$0x14180] =	vst v63  }
0x22: {  	_ =	swait.ge [sflag:s16], $0x4000  }
0x23: {  	[sflag:s16] =	ssyncset.done $0x0  }
0x24: {  	[sflag:s16] =	ssyncadd.s32 $0xFFFFC000  }
0x25: {  	[tilespmem:s17], [sflag:$0x1] =	stream.indirect.gather [hbm4b:s4+s12], $0x80, s12, s12, $0xb8;
	[tilespmem:$0x14180] =	vst v63  }
0x26: {  	_ =	swait.ge [sflag:s16], $0x4000  }
0x27: {  	[sflag:s16] =	ssyncset.done $0x0  }
0x28: {  	[sflag:s16] =	ssyncadd.s32 $0xFFFFC000  }
0x29: {  	[tilespmem:s18], [sflag:$0x1] =	stream.indirect.gather [hbm4b:s4+s12], $0x80, s13, s12, $0xb8;
	[tilespmem:$0x14180] =	vst v63  }
0x2a: {  	_ =	swait.ge [sflag:s16], $0x4000  }
0x2b: {  	[sflag:s16] =	ssyncset.done $0x0  }
0x2c: {  	s23 =	simm.s32 $0x0;
	[sflag:s16] =	ssyncadd.s32 $0xFFFFC000  }
0x2d: {  	v1 =	vld [tilespmem:s23+$0x180]  }
0x2e: {  	v2 =	vld [tilespmem:s23+$0x190]  }
0x2f: {  	v3 =	vld [tilespmem:s23+$0x41F0]  }
0x30: {  	v4 =	vld [tilespmem:s23+$0x81F0]  }
0x31: {  	v0 =	vld [tilespmem:s23+$0x1A0]  }
0x32: {  	v5 =	vld [tilespmem:s23+$0xC1F0]  }
0x33: {  	v6 =	vld [tilespmem:s23+$0x4180]  }
0x34: {  	v7 =	vld [tilespmem:s23+$0x8180]  }
0x35: {  	v8 =	vld [tilespmem:s23+$0x4190]  }
0x36: {  	v9 =	vld [tilespmem:s23+$0x8190]  }
0x37: {  	v10 =	vld [tilespmem:s23+$0x41A0]  }
0x38: {  	v11 =	vld [tilespmem:s23+$0x41B0]  }
0x39: {  	v12 =	vld [tilespmem:s23+$0x41C0]  }
0x3a: {  	v13 =	vld [tilespmem:s23+$0x41D0];
	v3 =	vmul.f32 v3, v1;
	v4 =	vmul.f32 v4, v2  }
0x3b: {  	v14 =	vld [tilespmem:s23+$0x81D0]  }
0x3c: {  	v15 =	vld [tilespmem:s23+$0x41E0];
	v3 =	vadd.f32 v4, v3;
	v4 =	vmul.f32 v5, v0  }
0x3d: {  	v5 =	vld [tilespmem:s23+$0x81A0]  }
0x3e: {  	v3 =	vadd.f32 v4, v3;
	v4 =	vld [tilespmem:s23+$0x81B0]  }
0x3f: {  	v18 =	vld [tilespmem:s23+$0xC190];
	v6 =	vmul.f32 v6, v1  }
0x40: {  	v7 =	vmul.f32 v7, v2;
	v8 =	vmul.f32 v8, v1;
	[tilespmem:s23+$0x101F0] =	vst v3;
	v3 =	vld [tilespmem:s23+$0x81C0]  }
0x41: {  	v17 =	vld [tilespmem:s23+$0xC180];
	v9 =	vmul.f32 v9, v2;
	v10 =	vmul.f32 v10, v1  }
0x42: {  	v16 =	vld [tilespmem:s23+$0x81E0];
	v11 =	vmul.f32 v11, v1;
	v5 =	vmul.f32 v5, v2  }
0x43: {  	v19 =	vld [tilespmem:s23+$0xC1A0];
	v12 =	vmul.f32 v12, v1;
	v6 =	vadd.f32 v7, v6;
	v4 =	vmul.f32 v4, v2  }
0x44: {  	v20 =	vld [tilespmem:s23+$0xC1B0];
	v23 =	vadd.f32 v5, v10;
	v5 =	vmul.f32 v13, v1;
	v10 =	vmul.f32 v14, v2  }
0x45: {  	v22 =	vld [tilespmem:s23+$0xC1C0];
	v8 =	vadd.f32 v9, v8;
	v13 =	vmul.f32 v18, v0;
	v21 =	vmul.f32 v3, v2  }
0x46: {  	v7 =	vld [tilespmem:s23+$0xC1D0];
	v3 =	vadd.f32 v4, v11;
	v11 =	vmul.f32 v15, v1;
	v1 =	vmul.f32 v17, v0  }
0x47: {  	s24 =	simm.s32 $0x80;
	v9 =	vld [tilespmem:s23+$0xC1E0];
	v5 =	vadd.f32 v10, v5;
	v4 =	vadd.f32 v21, v12;
	v12 =	vmul.f32 v16, v2  }
0x48: {  	v15 =	vmul.f32 v19, v0;
	v10 =	vadd.f32 v13, v8;
	v8 =	vld [tilespmem:s24+$0x41F0];
	v14 =	vadd.f32 v1, v6  }
0x49: {  	v2 =	vld [tilespmem:s24+$0x180];
	v6 =	vadd.f32 v12, v11;
	v11 =	vmul.f32 v20, v0  }
0x4a: {  	s25 =	simm.s32 $0x400;
	v1 =	vld [tilespmem:s24+$0x190];
	v13 =	vadd.f32 v15, v23;
	[tilespmem:s23+$0x10180] =	vst v14;
	v12 =	vmul.f32 v22, v0  }
.LBB2_3:
0x4b: {  	p0 =	sne.s32 s25, $0xFE00;
	v14 =	vld [tilespmem:s24+$0x81F0];
	[tilespmem:s23+$0x10190] =	vst v10;
	v3 =	vadd.f32 v11, v3;
	v7 =	vmul.f32 v7, v0  }
0x4c: {  	[tilespmem:s23+$0x101A0] =	vst v13;
	v4 =	vadd.f32 v12, v4;
	v9 =	vmul.f32 v9, v0;
	v0 =	vld [tilespmem:s24+$0x1A0]  }
0x4d: {  	v10 =	vld [tilespmem:s24+$0xC1F0];
	[tilespmem:s23+$0x101B0] =	vst v3;
	v3 =	vadd.f32 v7, v5  }
0x4e: {  	v5 =	vld [tilespmem:s24+$0x4180];
	[tilespmem:s23+$0x101C0] =	vst v4;
	v4 =	vadd.f32 v9, v6  }
0x4f: {  	v6 =	vld [tilespmem:s24+$0x8180];
	[tilespmem:s23+$0x101D0] =	vst v3  }
0x50: {  	v7 =	vmul.f32 v8, v2;
	v3 =	vld [tilespmem:s24+$0x4190];
	v8 =	vmul.f32 v14, v1;
	[tilespmem:s23+$0x101E0] =	vst v4;
	s23 =	smov.u32 s24  }
0x51: {  	v4 =	vld [tilespmem:s23+$0x8190]  }
0x52: {  	v9 =	vld [tilespmem:s23+$0x41A0];
	v7 =	vadd.f32 v8, v7;
	v8 =	vmul.f32 v10, v0  }
0x53: {  	v5 =	vmul.f32 v5, v2;
	v10 =	vld [tilespmem:s23+$0x81A0]  }
0x54: {  	v6 =	vmul.f32 v6, v1;
	v11 =	vld [tilespmem:s23+$0x41B0];
	v7 =	vadd.f32 v8, v7  }
0x55: {  	v3 =	vmul.f32 v3, v2;
	v8 =	vld [tilespmem:s23+$0x81B0]  }
0x56: {  	v12 =	vadd.f32 v6, v5;
	v4 =	vmul.f32 v4, v1;
	v5 =	vld [tilespmem:s23+$0x41C0];
	[tilespmem:s23+$0x101F0] =	vst v7  }
0x57: {  	v6 =	vmul.f32 v9, v2;
	v7 =	vld [tilespmem:s23+$0x81C0]  }
0x58: {  	v13 =	vadd.f32 v4, v3;
	v3 =	vmul.f32 v10, v1;
	v4 =	vld [tilespmem:s23+$0x41D0]  }
0x59: {  	v9 =	vmul.f32 v11, v2;
	v10 =	vld [tilespmem:s23+$0x81D0]  }
0x5a: {  	v14 =	vadd.f32 v3, v6;
	v3 =	vmul.f32 v8, v1;
	v6 =	vld [tilespmem:s23+$0x41E0]  }
0x5b: {  	v5 =	vmul.f32 v5, v2;
	v8 =	vld [tilespmem:s23+$0x81E0]  }
0x5c: {  	v11 =	vld [tilespmem:s23+$0xC180];
	v3 =	vadd.f32 v3, v9;
	v7 =	vmul.f32 v7, v1  }
0x5d: {  	v9 =	vld [tilespmem:s23+$0xC190];
	v15 =	vmul.f32 v4, v2  }
0x5e: {  	v16 =	vld [tilespmem:s23+$0xC1A0];
	v4 =	vadd.f32 v7, v5;
	v5 =	vmul.f32 v10, v1  }
0x5f: {  	v17 =	vld [tilespmem:s23+$0xC1B0];
	v2 =	vmul.f32 v6, v2  }
0x60: {  	v18 =	vld [tilespmem:s23+$0xC1C0];
	v5 =	vadd.f32 v5, v15;
	v1 =	vmul.f32 v8, v1  }
.Ltmp0:
0x61: {  	v8 =	vmul.f32 v11, v0;
	v7 =	vld [tilespmem:s23+$0xC1D0];
	(pc) =	sbr.rel @p0 .LBB2_3-.Ltmp0, $4  }
0x62: {  	s24 =	sshra.s32 s25, $0x2;
	v10 =	vmul.f32 v9, v0;
	v6 =	vadd.f32 v1, v2;
	v9 =	vld [tilespmem:s23+$0xC1E0]  }
0x63: {  	v2 =	vld [tilespmem:s24+$0x180];
	v12 =	vadd.f32 v8, v12;
	v15 =	vmul.f32 v16, v0  }
0x64: {  	v1 =	vld [tilespmem:s24+$0x190];
	v10 =	vadd.f32 v10, v13;
	v11 =	vmul.f32 v17, v0  }
0x65: {  	s25 =	sadd.s32 $0x200, s25;
	v8 =	vld [tilespmem:s24+$0x41F0];
	[tilespmem:s23+$0x10180] =	vst v12;
	v13 =	vadd.f32 v15, v14;
	v12 =	vmul.f32 v18, v0  }
0x66: {  	v14 =	vld [tilespmem:s24+$0x81F0];
	[tilespmem:s23+$0x10190] =	vst v10;
	v3 =	vadd.f32 v11, v3;
	v7 =	vmul.f32 v7, v0  }
0x67: {  	v10 =	vld [tilespmem:s24+$0x1A0];
	[tilespmem:s23+$0x101A0] =	vst v13;
	v4 =	vadd.f32 v12, v4;
	v34 =	vmul.f32 v9, v0  }
0x68: {  	v33 =	vld [tilespmem:s24+$0xC1F0];
	[tilespmem:s23+$0x101B0] =	vst v3;
	v5 =	vadd.f32 v7, v5  }
0x69: {  	v3 =	vld [tilespmem:s24+$0x4180];
	[tilespmem:s23+$0x101C0] =	vst v4;
	v0 =	vadd.f32 v34, v6  }
0x6a: {  	v4 =	vld [tilespmem:s24+$0x8180];
	[tilespmem:s23+$0x101D0] =	vst v5  }
0x6b: {  	v5 =	vld [tilespmem:s24+$0x4190];
	[tilespmem:s23+$0x101E0] =	vst v0  }
0x6c: {  	v37 =	vld [tilespmem:s24+$0x8190]  }
0x6d: {  	v38 =	vld [tilespmem:s24+$0x41A0]  }
0x6e: {  	v40 =	vld [tilespmem:s24+$0x81A0]  }
0x6f: {  	v41 =	vld [tilespmem:s24+$0x41B0]  }
0x70: {  	v42 =	vld [tilespmem:s24+$0x81B0]  }
0x71: {  	v43 =	vld [tilespmem:s24+$0x41C0]  }
0x72: {  	v44 =	vld [tilespmem:s24+$0x81C0]  }
0x73: {  	v13 =	vld [tilespmem:s24+$0x41D0]  }
0x74: {  	v35 =	vmul.f32 v8, v2;
	v36 =	vmul.f32 v14, v1;
	v45 =	vld [tilespmem:s24+$0x81D0]  }
0x75: {  	v15 =	vld [tilespmem:s24+$0x41E0];
	v39 =	vmul.f32 v33, v10  }
0x76: {  	v17 =	vld [tilespmem:s24+$0xC180];
	v0 =	vadd.f32 v36, v35;
	v3 =	vmul.f32 v3, v2;
	v4 =	vmul.f32 v4, v1  }
0x77: {  	v18 =	vld [tilespmem:s24+$0xC190];
	v5 =	vmul.f32 v5, v2;
	v7 =	vmul.f32 v37, v1  }
0x78: {  	v19 =	vld [tilespmem:s24+$0xC1A0];
	v0 =	vadd.f32 v39, v0;
	v8 =	vmul.f32 v38, v2;
	v9 =	vmul.f32 v40, v1  }
0x79: {  	v47 =	vld [tilespmem:s24+$0xC1B0];
	v46 =	vmul.f32 v41, v2;
	v6 =	vmul.f32 v42, v1  }
0x7a: {  	v16 =	vld [tilespmem:s24+$0x81E0];
	[tilespmem:s24+$0x101F0] =	vst v0;
	v48 =	vmul.f32 v43, v2;
	v0 =	vmul.f32 v44, v1  }
0x7b: {  	v49 =	vld [tilespmem:s24+$0xC1C0];
	v50 =	vmul.f32 v17, v10;
	v13 =	vmul.f32 v13, v2  }
0x7c: {  	v51 =	vld [tilespmem:s24+$0xC1D0];
	v3 =	vadd.f32 v4, v3;
	v52 =	vmul.f32 v18, v10;
	v54 =	vmul.f32 v15, v2  }
0x7d: {  	v53 =	vld [tilespmem:s24+$0xC1E0];
	v55 =	vmul.f32 v19, v10;
	v56 =	vmul.f32 v45, v1;
	v5 =	vadd.f32 v7, v5  }
0x7e: {  	v11 =	vmul.f32 v47, v10;
	v8 =	vadd.f32 v9, v8;
	v3 =	vadd.f32 v50, v3  }
0x7f: {  	v57 =	vmul.f32 v16, v1;
	v4 =	vadd.f32 v6, v46;
	v5 =	vadd.f32 v52, v5  }
0x80: {  	v59 =	vmul.f32 v49, v10;
	v0 =	vadd.f32 v0, v48;
	[tilespmem:s24+$0x10180] =	vst v3;
	v58 =	vadd.f32 v55, v8  }
0x81: {  	v60 =	vmul.f32 v51, v10;
	v7 =	vadd.f32 v56, v13;
	v4 =	vadd.f32 v11, v4;
	[tilespmem:s24+$0x10190] =	vst v5  }
0x82: {  	v61 =	vmul.f32 v53, v10;
	v1 =	vadd.f32 v57, v54;
	v0 =	vadd.f32 v59, v0;
	[tilespmem:s24+$0x101A0] =	vst v58  }
0x83: {  	v62 =	vadd.f32 v60, v7;
	[tilespmem:s24+$0x101B0] =	vst v4  }
0x84: {  	s21 =	sadd.s32 $0x1, s21;
	v63 =	vadd.f32 v61, v1;
	[tilespmem:s24+$0x101C0] =	vst v0  }
0x85: {  	p0 =	sne.s32 s21, $0x10;
	[tilespmem:s24+$0x101D0] =	vst v62  }
.Ltmp1:
0x86: {  	s22 =	sadd.s32 s6, s22;
	[tilespmem:s24+$0x101E0] =	vst v63;
	(pc) =	sbr.rel @p0 .LBB2_2-.Ltmp1, $4  }
0x87: {  	[hbm4b:s22+s2] =	stream.linear.scatter [tilespmem:s19], [sflag:$0x2], $0x4000, $0x38;
	[tilespmem:$0x14180] =	vst v63  }
0x88: {  	_ =	swait.ge [sflag:s11], $0x4000  }
0x89: {  	[sflag:s11] =	ssyncset.done $0x0  }
0x8a: {  	[sflag:s11] =	ssyncadd.s32 $0xFFFFC000  }
0x8b: {  	s20 =	sadd.s32 $0x1, s20  }
0x8c: {  	p0 =	sne.s32 s20, s10  }
.Ltmp2:
0x8d: {  	_ = 	snop;
	(pc) =	sbr.rel @p0 .LBB2_1-.Ltmp2, $1  }
0x8e: {  	_ =	sdelay $0x3  }
0x8f: {  	_ =	sfence.sel $0x180000  }
0x90: {  	[bflag:$0x0] =	sbarrier.arrive $0xFFFF  }
0x91: {  	p0 =	sne.s32 s3, $0x0;
	_ =	strace $0x90000047  }
0x92: {  	s0 =	sadd.s32 @!p0 $0x100000, s0;
	[bflag:$0x2] =	sbarrier.arrive $0xFFFF  }
0x93: {  	[sflag:s0] =	ssyncadd.tile.s32 @!p0 $0x1;
	_ =	shalt  }
.Lfunc_end2:
_tile_overlayer_lowered:
.L_overlay_start_2:
0x94: {  	(tag) =	ssettag $0x2  }
0x95: {  	s0 =	rddreg [dreg:$0x0];
	s2 =	stileid.u32  }
0x96: {  	s1 =	rddreg [dreg:$0x1];
	p0 =	sne.s32 s2, $0x0  }
0x97: {  	s3 =	rddreg [dreg:$0x2];
	[bflag:$0x3] =	sbarrier.arrive $0xFFFF;
	s2 =	simm.s32 @!p0 $0x1C02  }
0x98: {  	[timem:s3], [sflag:s2] =	dma.local @!p0 [hbm:s0], s1  }
0x99: {  	s0 =	simm.s32 @!p0 $0x2  }
0x9a: {  	_ =	swait.ge @!p0 [sflag:s0], s1  }
0x9b: {  	s1 =	ssub.s32 @!p0 $0x0, s1;
	[sflag:s0] =	ssyncset.done @!p0 $0x0  }
0x9c: {  	[sflag:s0] =	ssyncadd.s32 @!p0 s1  }
0x9d: {  	[bflag:$0x3] =	sbarrier.arrive $0xFFFF  }
0x9e: {  	_ =	shalt  }

</sc_bundles>
